<compile_context>
chip_gen: v7x
topology: tpu7x:2x2x1
jax: 0.10.2.dev20260603
libtpu: 0.0.44.dev20260713+nightly
codegen_flags: <defaults>
</compile_context>

<pallas_src>
import functools

import jax
import jax.numpy as jnp
from jax import lax
from jax.experimental import pallas as pl
from jax.experimental.pallas import tpu as pltpu
from jax.experimental.pallas import tpu_sc as plsc

E = 8
TOP_K = 2
D = 768
H = 768
O = 768
N_TOK = 4096
TB = 512
NTB = N_TOK // TB
NB = N_TOK * TOP_K // TB + E
CAPB = N_TOK // TB
NROWS = (E * CAPB + 1) * TB

NW = 32
TPW = N_TOK // NW
CH = 128


def _gelu_exact(h):
    return 0.5 * h * (1.0 + jax.lax.erf(h * 0.7071067811865476))


D2 = D // 2


def _pack_bf16(a, b):
    au = jax.lax.bitcast_convert_type(a, jnp.uint32) + 0x8000
    bu = jax.lax.bitcast_convert_type(b, jnp.uint32) + 0x8000
    pu = (au & jnp.uint32(0xFFFF0000)) | (bu >> 16)
    return jax.lax.bitcast_convert_type(pu, jnp.int32)


def _unpack_f32(p):
    pu = jax.lax.bitcast_convert_type(p, jnp.uint32)
    a = jax.lax.bitcast_convert_type(pu & jnp.uint32(0xFFFF0000), jnp.float32)
    b = jax.lax.bitcast_convert_type(pu << 16, jnp.float32)
    return a, b



def _router_kernel(x_ref, gw_ref,
                   xp_ref, g1_ref, g2_ref, r1_ref, r2_ref, rowmap_ref,
                   wmap_ref, nu_ref, aux_ref,
                   cnt_s, use_s, lt_s):
    tb = pl.program_id(0)

    @pl.when(tb == 0)
    def _init():
        cnt_s[...] = jnp.zeros((1, E), jnp.float32)
        use_s[...] = jnp.zeros((1, E), jnp.float32)
        row = jax.lax.broadcasted_iota(jnp.int32, (TB, TB), 0)
        col = jax.lax.broadcasted_iota(jnp.int32, (TB, TB), 1)
        lt_s[...] = (col < row).astype(jnp.bfloat16)

    @pl.when(tb < NTB)
    def _block():
        xb = x_ref[...]
        xp_ref[...] = _pack_bf16(xb[:, :D2], xb[:, D2:])
        logits = jnp.dot(xb, gw_ref[...], preferred_element_type=jnp.float32)
        lane = jax.lax.broadcasted_iota(jnp.int32, (TB, E), 1)
        v1 = jnp.max(logits, axis=1, keepdims=True)
        i1 = jnp.argmax(logits, axis=1)[:, None]
        masked = jnp.where(lane == i1, -jnp.inf, logits)
        v2 = jnp.max(masked, axis=1, keepdims=True)
        i2 = jnp.argmax(masked, axis=1)[:, None]
        g1 = 1.0 / (1.0 + jnp.exp(v2 - v1))
        g2 = 1.0 - g1

        oh1 = (lane == i1).astype(jnp.float32)
        oh2 = (lane == i2).astype(jnp.float32)
        ohs = oh1 + oh2
        excl = jnp.dot(lt_s[...], ohs.astype(jnp.bfloat16),
                       preferred_element_type=jnp.float32)
        cnt = cnt_s[...]
        rank1 = jnp.sum(oh1 * (cnt + excl), axis=1, keepdims=True)
        rank2 = jnp.sum(oh2 * (cnt + excl + oh1), axis=1, keepdims=True)
        cnt_s[...] = cnt + jnp.sum(ohs, axis=0, keepdims=True)
        use_s[...] = use_s[...] + jnp.sum(oh1 * g1 + oh2 * g2, axis=0,
                                          keepdims=True)

        r1_ref[...] = i1 * N_TOK + rank1.astype(jnp.int32)
        r2_ref[...] = i2 * N_TOK + rank2.astype(jnp.int32)
        g1_ref[...] = g1
        g2_ref[...] = g2

    @pl.when(tb == NTB)
    def _fin():
        cnt = cnt_s[...]
        usage = use_s[...] / N_TOK
        uniform = 1.0 / E
        aux_ref[...] = jnp.sum(uniform * (jnp.log(uniform) - jnp.log(usage)),
                               axis=1, keepdims=True)
        nb_e = jnp.floor((cnt + (TB - 1)) * (1.0 / TB))
        r8 = jax.lax.broadcasted_iota(jnp.int32, (E, E), 0)
        c8 = jax.lax.broadcasted_iota(jnp.int32, (E, E), 1)
        le = (r8 <= c8).astype(jnp.float32)
        cum = jnp.dot(nb_e, le, preferred_element_type=jnp.float32)
        iota_nb = jax.lax.broadcasted_iota(
            jnp.int32, (1, NB), 1).astype(jnp.float32)
        e_sel = jnp.zeros((1, NB), jnp.float32)
        cexcl_sel = jnp.zeros((1, NB), jnp.float32)
        for e in range(E):
            cum_e = cum[0:1, e:e + 1]
            e_sel = e_sel + (iota_nb >= cum_e).astype(jnp.float32)
        for e in range(E):
            cexcl_e = cum[0:1, e:e + 1] - nb_e[0:1, e:e + 1]
            e_eq = (e_sel == e).astype(jnp.float32)
            cexcl_sel = cexcl_sel + e_eq * cexcl_e
        nu = cum[0:1, E - 1:E]
        live = iota_nb < nu
        boff = iota_nb - cexcl_sel
        rowmap = jnp.where(live, e_sel * CAPB + boff,
                           float(E * CAPB)).astype(jnp.int32)
        wmap = jnp.minimum(e_sel, E - 1).astype(jnp.int32)
        rowmap_ref[...] = rowmap
        wmap_ref[...] = wmap
        nu_ref[...] = nu.astype(jnp.int32)


def _router(x2, gate_w):
    return pl.pallas_call(
        _router_kernel,
        grid=(NTB + 1,),
        in_specs=[
            pl.BlockSpec((TB, D), lambda tb: (jnp.minimum(tb, NTB - 1), 0)),
            pl.BlockSpec((D, E), lambda tb: (0, 0)),
        ],
        out_specs=[
            pl.BlockSpec((TB, D2), lambda tb: (jnp.minimum(tb, NTB - 1), 0)),
            pl.BlockSpec((TB, 1), lambda tb: (jnp.minimum(tb, NTB - 1), 0)),
            pl.BlockSpec((TB, 1), lambda tb: (jnp.minimum(tb, NTB - 1), 0)),
            pl.BlockSpec((TB, 1), lambda tb: (jnp.minimum(tb, NTB - 1), 0)),
            pl.BlockSpec((TB, 1), lambda tb: (jnp.minimum(tb, NTB - 1), 0)),
            pl.BlockSpec((1, NB), lambda tb: (0, 0)),
            pl.BlockSpec((1, NB), lambda tb: (0, 0)),
            pl.BlockSpec((1, 1), lambda tb: (0, 0)),
            pl.BlockSpec((1, 1), lambda tb: (0, 0)),
        ],
        out_shape=[
            jax.ShapeDtypeStruct((N_TOK, D2), jnp.int32),
            jax.ShapeDtypeStruct((N_TOK, 1), jnp.float32),
            jax.ShapeDtypeStruct((N_TOK, 1), jnp.float32),
            jax.ShapeDtypeStruct((N_TOK, 1), jnp.int32),
            jax.ShapeDtypeStruct((N_TOK, 1), jnp.int32),
            jax.ShapeDtypeStruct((1, NB), jnp.int32),
            jax.ShapeDtypeStruct((1, NB), jnp.int32),
            jax.ShapeDtypeStruct((1, 1), jnp.int32),
            jax.ShapeDtypeStruct((1, 1), jnp.float32),
        ],
        scratch_shapes=[
            pltpu.VMEM((1, E), jnp.float32),
            pltpu.VMEM((1, E), jnp.float32),
            pltpu.VMEM((TB, TB), jnp.bfloat16),
        ],
    )(x2, gate_w)



def _dispatch_body(x_hbm, r1_hbm, r2_hbm, xd_hbm,
                   xloc, r1v, r2v, sem1, sem2):
    wid = lax.axis_index("s") * 2 + lax.axis_index("c")
    for c in range(TPW // CH):
        base = wid * TPW + c * CH
        pltpu.sync_copy(x_hbm.at[pl.ds(base, CH)], xloc)
        pltpu.sync_copy(r1_hbm.at[pl.ds(base, CH)], r1v)
        pltpu.sync_copy(r2_hbm.at[pl.ds(base, CH)], r2v)
        cp1 = pltpu.async_copy(xloc, xd_hbm.at[r1v], sem1)
        cp2 = pltpu.async_copy(xloc, xd_hbm.at[r2v], sem2)
        cp1.wait()
        cp2.wait()


def _dispatch(xp, r1, r2):
    mesh = plsc.VectorSubcoreMesh(core_axis_name="c", subcore_axis_name="s", num_cores=2, num_subcores=16)
    f = functools.partial(
        pl.kernel, mesh=mesh,
        out_type=jax.ShapeDtypeStruct((NROWS, D2), jnp.int32),
        scratch_types=[
            pltpu.VMEM((CH, D2), jnp.int32),
            pltpu.VMEM((CH,), jnp.int32),
            pltpu.VMEM((CH,), jnp.int32),
            pltpu.SemaphoreType.DMA,
            pltpu.SemaphoreType.DMA,
        ],
    )(_dispatch_body)
    return f(xp, r1, r2)



def _ffn_kernel(rm_ref, wm_ref, nu_ref, x_ref, w1_ref, b1_ref, w2_ref,
                b2_ref, w3_ref, b3_ref, y_ref, w1b, w2b, w3b):
    i = pl.program_id(0)
    nu = nu_ref[0]
    new_expert = jnp.logical_or(
        i == 0, wm_ref[i] != wm_ref[jnp.maximum(i - 1, 0)])

    @pl.when(jnp.logical_and(i < nu, new_expert))
    def _cast_weights():
        w1b[...] = w1_ref[0].astype(jnp.bfloat16)
        w2b[...] = w2_ref[0].astype(jnp.bfloat16)
        w3b[...] = w3_ref[0].astype(jnp.bfloat16)

    @pl.when(i < nu)
    def _compute():
        xa, xc = _unpack_f32(x_ref[...])
        xb = jnp.concatenate([xa, xc], axis=1).astype(jnp.bfloat16)
        h = jnp.dot(xb, w1b[...],
                    preferred_element_type=jnp.float32) + b1_ref[0]
        h = _gelu_exact(h)
        h = jnp.dot(h.astype(jnp.bfloat16), w2b[...],
                    preferred_element_type=jnp.float32) + b2_ref[0]
        h = _gelu_exact(h)
        y = jnp.dot(h.astype(jnp.bfloat16), w3b[...],
                    preferred_element_type=jnp.float32) + b3_ref[0]
        y_ref[...] = _pack_bf16(y[:, :D2], y[:, D2:])


def _ffn(rm, wm, nu, x_disp, w1, b1, w2, b2, w3, b3):
    grid_spec = pltpu.PrefetchScalarGridSpec(
        num_scalar_prefetch=3,
        grid=(NB,),
        in_specs=[
            pl.BlockSpec((TB, D2), lambda i, rm, wm, nu: (rm[i], 0)),
            pl.BlockSpec((1, D, H), lambda i, rm, wm, nu: (wm[i], 0, 0)),
            pl.BlockSpec((1, 1, H), lambda i, rm, wm, nu: (wm[i], 0, 0)),
            pl.BlockSpec((1, H, H), lambda i, rm, wm, nu: (wm[i], 0, 0)),
            pl.BlockSpec((1, 1, H), lambda i, rm, wm, nu: (wm[i], 0, 0)),
            pl.BlockSpec((1, H, O), lambda i, rm, wm, nu: (wm[i], 0, 0)),
            pl.BlockSpec((1, 1, O), lambda i, rm, wm, nu: (wm[i], 0, 0)),
        ],
        out_specs=pl.BlockSpec((TB, D2), lambda i, rm, wm, nu: (rm[i], 0)),
        scratch_shapes=[
            pltpu.VMEM((D, H), jnp.bfloat16),
            pltpu.VMEM((H, H), jnp.bfloat16),
            pltpu.VMEM((H, O), jnp.bfloat16),
        ],
    )
    return pl.pallas_call(
        _ffn_kernel,
        grid_spec=grid_spec,
        out_shape=jax.ShapeDtypeStruct((NROWS, D2), jnp.int32),
    )(rm, wm, nu, x_disp, w1, b1.reshape(E, 1, H), w2, b2.reshape(E, 1, H),
      w3, b3.reshape(E, 1, O))



def _collect_body(yd_hbm, r1_hbm, r2_hbm, ya_hbm, yb_hbm,
                  y1loc, y2loc, r1v, r2v, sem1, sem2):
    wid = lax.axis_index("s") * 2 + lax.axis_index("c")
    for c in range(TPW // CH):
        base = wid * TPW + c * CH
        pltpu.sync_copy(r1_hbm.at[pl.ds(base, CH)], r1v)
        pltpu.sync_copy(r2_hbm.at[pl.ds(base, CH)], r2v)
        cp1 = pltpu.async_copy(yd_hbm.at[r1v], y1loc, sem1)
        cp2 = pltpu.async_copy(yd_hbm.at[r2v], y2loc, sem2)
        cp1.wait()
        pltpu.sync_copy(y1loc, ya_hbm.at[pl.ds(base, CH)])
        cp2.wait()
        pltpu.sync_copy(y2loc, yb_hbm.at[pl.ds(base, CH)])


def _collect(y_disp, r1, r2):
    mesh = plsc.VectorSubcoreMesh(core_axis_name="c", subcore_axis_name="s", num_cores=2, num_subcores=16)
    f = functools.partial(
        pl.kernel, mesh=mesh,
        out_type=[
            jax.ShapeDtypeStruct((N_TOK, D2), jnp.int32),
            jax.ShapeDtypeStruct((N_TOK, D2), jnp.int32),
        ],
        scratch_types=[
            pltpu.VMEM((CH, D2), jnp.int32),
            pltpu.VMEM((CH, D2), jnp.int32),
            pltpu.VMEM((CH,), jnp.int32),
            pltpu.VMEM((CH,), jnp.int32),
            pltpu.SemaphoreType.DMA,
            pltpu.SemaphoreType.DMA,
        ],
    )(_collect_body)
    return f(y_disp, r1, r2)



def _combine_kernel(ya_ref, yb_ref, g1_ref, g2_ref, ln_g_ref, ln_b_ref,
                    out_ref):
    ya1, ya2 = _unpack_f32(ya_ref[...])
    yaf = jnp.concatenate([ya1, ya2], axis=1)
    yb1, yb2 = _unpack_f32(yb_ref[...])
    ybf = jnp.concatenate([yb1, yb2], axis=1)
    a = g1_ref[...] * yaf + g2_ref[...] * ybf
    mu = jnp.mean(a, axis=1, keepdims=True)
    var = jnp.mean((a - mu) ** 2, axis=1, keepdims=True)
    out_ref[...] = ((a - mu) * jax.lax.rsqrt(var + 1e-5)
                    * ln_g_ref[...] + ln_b_ref[...])


def _combine(ya, yb, g1, g2, ln_g, ln_b):
    return pl.pallas_call(
        _combine_kernel,
        grid=(NTB,),
        in_specs=[
            pl.BlockSpec((TB, D2), lambda tb: (tb, 0)),
            pl.BlockSpec((TB, D2), lambda tb: (tb, 0)),
            pl.BlockSpec((TB, 1), lambda tb: (tb, 0)),
            pl.BlockSpec((TB, 1), lambda tb: (tb, 0)),
            pl.BlockSpec((1, O), lambda tb: (0, 0)),
            pl.BlockSpec((1, O), lambda tb: (0, 0)),
        ],
        out_specs=pl.BlockSpec((TB, O), lambda tb: (tb, 0)),
        out_shape=jax.ShapeDtypeStruct((N_TOK, O), jnp.float32),
    )(ya, yb, g1, g2, ln_g.reshape(1, O), ln_b.reshape(1, O))


@jax.jit
def kernel(x, gate_w, w1, b1, w2, b2, w3, b3, ln_g, ln_b):
    b, s, d = x.shape
    x2 = x.reshape(b * s, d)

    xp, g1, g2, r1, r2, rowmap, wmap, nu, aux = _router(x2, gate_w)

    r1 = r1.reshape(-1)
    r2 = r2.reshape(-1)
    x_disp = _dispatch(xp, r1, r2)
    y_disp = _ffn(rowmap.reshape(-1), wmap.reshape(-1), nu.reshape(-1),
                  x_disp, w1, b1, w2, b2, w3, b3)
    ya, yb = _collect(y_disp, r1, r2)
    out2 = _combine(ya, yb, g1, g2, ln_g, ln_b)
    return out2.reshape(b, s, O), aux[0, 0]

# --- scband reference (transcript-rebuilt; emitter-appended) ---
"""Pipeline reference for scband-mixture-of-experts-41308995453103 (READ-ONLY COPY).

The authoritative reference and input builder live on the scoring server;
editing this copy changes nothing except your own understanding.
"""

import jax, jax.numpy as jnp
import numpy as np

E = 8
TOP_K = 2
D = 768
H = 768
O = 768
B = 2
S = 2048


def setup_inputs(seed: int = 0) -> dict:
    key = jax.random.key(seed)
    ks = jax.random.split(key, 12)
    scale = 0.02
    x = jax.random.normal(ks[0], (B, S, D), dtype=jnp.float32)
    gate_w = jax.random.normal(ks[1], (D, E), dtype=jnp.float32) * scale
    w1 = jax.random.normal(ks[2], (E, D, H), dtype=jnp.float32) * scale
    b1 = jnp.zeros((E, H), dtype=jnp.float32)
    w2 = jax.random.normal(ks[3], (E, H, H), dtype=jnp.float32) * scale
    b2 = jnp.zeros((E, H), dtype=jnp.float32)
    w3 = jax.random.normal(ks[4], (E, H, O), dtype=jnp.float32) * scale
    b3 = jnp.zeros((E, O), dtype=jnp.float32)
    ln_g = jnp.ones((O,), dtype=jnp.float32)
    ln_b = jnp.zeros((O,), dtype=jnp.float32)
    return {"x": x, "gate_w": gate_w, "w1": w1, "b1": b1, "w2": w2, "b2": b2, "w3": w3, "b3": b3, "ln_g": ln_g, "ln_b": ln_b}


def reference(x, gate_w, w1, b1, w2, b2, w3, b3, ln_g, ln_b):
    b, s, d = x.shape
    e = gate_w.shape[1]
    # Router (eval mode: no gating noise)
    logits = jnp.einsum('bsd,de->bse', x, gate_w)
    top_v, top_i = jax.lax.top_k(logits, TOP_K)
    top_g = jax.nn.softmax(top_v, axis=-1)
    # scatter top-k gates back into dense [b, s, E] gate tensor
    gates = jnp.sum(jax.nn.one_hot(top_i, e, dtype=logits.dtype) * top_g[..., None], axis=-2)
    expert_usage = gates.sum(axis=(0, 1)) / (b * s)
    uniform = jnp.ones_like(expert_usage) / e
    # F.kl_div(usage.log(), uniform, reduction='sum') = sum(uniform * (log(uniform) - log(usage)))
    aux_loss = jnp.sum(uniform * (jnp.log(uniform) - jnp.log(expert_usage)))
    # Experts: densely compute all experts for all tokens (as in torch impl)
    x_flat = x.reshape(-1, d)
    gates_flat = gates.reshape(-1, e)
    h = jax.nn.gelu(jnp.einsum('nd,edh->enh', x_flat, w1) + b1[:, None, :], approximate=False)
    h = jax.nn.gelu(jnp.einsum('enh,ehk->enk', h, w2) + b2[:, None, :], approximate=False)
    expert_out = jnp.einsum('enh,eho->eno', h, w3) + b3[:, None, :]
    # einsum('bne,bn->be') in torch with expert_outputs [N, E, O] stacked on dim=1;
    # here expert_out is [E, N, O], gates_flat is [N, E]
    out = jnp.einsum('eno,ne->no', expert_out, gates_flat)
    out = out.reshape(b, s, -1)
    # LayerNorm (eps=1e-5)
    mean = out.mean(axis=-1, keepdims=True)
    var = out.var(axis=-1, keepdims=True)
    out = (out - mean) / jnp.sqrt(var + 1e-5) * ln_g + ln_b
    return out, aux_loss

if __name__ == "__main__":
    import jax
    _d = setup_inputs()
    print(jax.jit(kernel)(*tuple(_d.values())))

</pallas_src>

<mosaic_0001>
#map = affine_map<(d0, d1) -> (0, 0)>
#map1 = affine_map<(d0, d1) -> (0)>
module attributes {stable_mosaic.version = 14 : i64} {
  func.func @_dispatch_body(%arg0: i32, %arg1: i32, %arg2: memref<4096x384xi32, #tpu.memory_space<hbm>>, %arg3: memref<4096xi32, #tpu.memory_space<hbm>>, %arg4: memref<4096xi32, #tpu.memory_space<hbm>>, %arg5: memref<33280x384xi32, #tpu.memory_space<hbm>>, %arg6: memref<128x384xi32, #tpu.memory_space<vmem>>, %arg7: memref<128xi32, #tpu.memory_space<vmem>>, %arg8: memref<128xi32, #tpu.memory_space<vmem>>, %arg9: memref<!tpu.dma_semaphore, #tpu.memory_space<semaphore_mem>>, %arg10: memref<!tpu.dma_semaphore, #tpu.memory_space<semaphore_mem>>) attributes {dimension_semantics = [#tpu.dimension_semantics<core_parallel>, #tpu.dimension_semantics<subcore_parallel>], iteration_bounds = array<i64: 2, 16>, scalar_prefetch = 0 : i64, scratch_operands = 5 : i64, tpu.core_type = #tpu.core_type<sc_vector_subcore>, window_params = [{transform_indices = #map}, {transform_indices = #map1}, {transform_indices = #map1}, {transform_indices = #map}]} {
    %mul3A = arith.constant 2 : i32
    %mul3A_0 = arith.muli %arg1, %mul3A : i32
    %add3A = arith.addi %mul3A_0, %arg0 : i32
    %mul3A_1 = arith.constant 128 : i32
    %mul3A_2 = arith.muli %add3A, %mul3A_1 : i32
    %add3A_3 = arith.constant 0 : i32
    %add3A_4 = arith.addi %mul3A_2, %add3A_3 : i32
    "tpu.region"() ({
      %run_scoped3A = tpu.sem_alloc : memref<!tpu.dma_semaphore, #tpu.memory_space<semaphore_mem>>
      %dma_start3A_15 = arith.constant 0 : i32
      %dma_start3A_16 = tpu.memref_slice %arg2[%add3A_4, %dma_start3A_15] : memref<4096x384xi32, #tpu.memory_space<hbm>> -> memref<128x384xi32, #tpu.memory_space<hbm>>
      %dma_start3A_17 = arith.constant 0 : i32
      %dma_start3A_18 = tpu.memref_slice %arg2[%add3A_4, %dma_start3A_17] : memref<4096x384xi32, #tpu.memory_space<hbm>> -> memref<128x384xi32, #tpu.memory_space<hbm>>
      tpu.enqueue_dma source(%dma_start3A_18 : memref<128x384xi32, #tpu.memory_space<hbm>>) target(%arg6 : memref<128x384xi32, #tpu.memory_space<vmem>>) target_semaphore(%run_scoped3A : memref<!tpu.dma_semaphore, #tpu.memory_space<semaphore_mem>>)
      %dma_wait3A_19 = arith.constant 0 : i32
      %dma_wait3A_20 = tpu.memref_slice %arg2[%add3A_4, %dma_wait3A_19] : memref<4096x384xi32, #tpu.memory_space<hbm>> -> memref<128x384xi32, #tpu.memory_space<hbm>>
      %dma_wait3A_21 = arith.constant 0 : i32
      %dma_wait3A_22 = tpu.memref_slice %arg2[%add3A_4, %dma_wait3A_21] : memref<4096x384xi32, #tpu.memory_space<hbm>> -> memref<128x384xi32, #tpu.memory_space<hbm>>
      tpu.wait_dma2 semaphore(%run_scoped3A : memref<!tpu.dma_semaphore, #tpu.memory_space<semaphore_mem>>) src(%dma_wait3A_22 : memref<128x384xi32, #tpu.memory_space<hbm>>) dst(%arg6 : memref<128x384xi32, #tpu.memory_space<vmem>>)
      tpu.yield
    }) : () -> ()
    "tpu.region"() ({
      %run_scoped3A = tpu.sem_alloc : memref<!tpu.dma_semaphore, #tpu.memory_space<semaphore_mem>>
      %dma_start3A_15 = tpu.memref_slice %arg3[%add3A_4] : memref<4096xi32, #tpu.memory_space<hbm>> -> memref<128xi32, #tpu.memory_space<hbm>>
      %dma_start3A_16 = tpu.memref_slice %arg3[%add3A_4] : memref<4096xi32, #tpu.memory_space<hbm>> -> memref<128xi32, #tpu.memory_space<hbm>>
      tpu.enqueue_dma source(%dma_start3A_16 : memref<128xi32, #tpu.memory_space<hbm>>) target(%arg7 : memref<128xi32, #tpu.memory_space<vmem>>) target_semaphore(%run_scoped3A : memref<!tpu.dma_semaphore, #tpu.memory_space<semaphore_mem>>)
      %dma_wait3A_17 = tpu.memref_slice %arg3[%add3A_4] : memref<4096xi32, #tpu.memory_space<hbm>> -> memref<128xi32, #tpu.memory_space<hbm>>
      %dma_wait3A_18 = tpu.memref_slice %arg3[%add3A_4] : memref<4096xi32, #tpu.memory_space<hbm>> -> memref<128xi32, #tpu.memory_space<hbm>>
      tpu.wait_dma2 semaphore(%run_scoped3A : memref<!tpu.dma_semaphore, #tpu.memory_space<semaphore_mem>>) src(%dma_wait3A_18 : memref<128xi32, #tpu.memory_space<hbm>>) dst(%arg7 : memref<128xi32, #tpu.memory_space<vmem>>)
      tpu.yield
    }) : () -> ()
    "tpu.region"() ({
      %run_scoped3A = tpu.sem_alloc : memref<!tpu.dma_semaphore, #tpu.memory_space<semaphore_mem>>
      %dma_start3A_15 = tpu.memref_slice %arg4[%add3A_4] : memref<4096xi32, #tpu.memory_space<hbm>> -> memref<128xi32, #tpu.memory_space<hbm>>
      %dma_start3A_16 = tpu.memref_slice %arg4[%add3A_4] : memref<4096xi32, #tpu.memory_space<hbm>> -> memref<128xi32, #tpu.memory_space<hbm>>
      tpu.enqueue_dma source(%dma_start3A_16 : memref<128xi32, #tpu.memory_space<hbm>>) target(%arg8 : memref<128xi32, #tpu.memory_space<vmem>>) target_semaphore(%run_scoped3A : memref<!tpu.dma_semaphore, #tpu.memory_space<semaphore_mem>>)
      %dma_wait3A_17 = tpu.memref_slice %arg4[%add3A_4] : memref<4096xi32, #tpu.memory_space<hbm>> -> memref<128xi32, #tpu.memory_space<hbm>>
      %dma_wait3A_18 = tpu.memref_slice %arg4[%add3A_4] : memref<4096xi32, #tpu.memory_space<hbm>> -> memref<128xi32, #tpu.memory_space<hbm>>
      tpu.wait_dma2 semaphore(%run_scoped3A : memref<!tpu.dma_semaphore, #tpu.memory_space<semaphore_mem>>) src(%dma_wait3A_18 : memref<128xi32, #tpu.memory_space<hbm>>) dst(%arg8 : memref<128xi32, #tpu.memory_space<vmem>>)
      tpu.yield
    }) : () -> ()
    %dma_start3A = arith.constant 0 : i32
    %dma_start3A_5 = arith.constant 0 : i32
    %dma_start3A_6 = tpu.memref_slice %arg5[%dma_start3A, %dma_start3A_5] : memref<33280x384xi32, #tpu.memory_space<hbm>> -> memref<33280x384xi32, #tpu.memory_space<hbm>>
    tpu.enqueue_indirect_dma source(%arg6 : memref<128x384xi32, #tpu.memory_space<vmem>>) target(%dma_start3A_6 : memref<33280x384xi32, #tpu.memory_space<hbm>>) offsets(%arg7 : memref<128xi32, #tpu.memory_space<vmem>>) semaphore(%arg9 : memref<!tpu.dma_semaphore, #tpu.memory_space<semaphore_mem>>)
    %dma_start3A_7 = arith.constant 0 : i32
    %dma_start3A_8 = arith.constant 0 : i32
    %dma_start3A_9 = tpu.memref_slice %arg5[%dma_start3A_7, %dma_start3A_8] : memref<33280x384xi32, #tpu.memory_space<hbm>> -> memref<33280x384xi32, #tpu.memory_space<hbm>>
    tpu.enqueue_indirect_dma source(%arg6 : memref<128x384xi32, #tpu.memory_space<vmem>>) target(%dma_start3A_9 : memref<33280x384xi32, #tpu.memory_space<hbm>>) offsets(%arg8 : memref<128xi32, #tpu.memory_space<vmem>>) semaphore(%arg10 : memref<!tpu.dma_semaphore, #tpu.memory_space<semaphore_mem>>)
    %dma_wait3A = arith.constant 0 : i32
    %dma_wait3A_10 = arith.constant 0 : i32
    %dma_wait3A_11 = tpu.memref_slice %arg5[%dma_wait3A, %dma_wait3A_10] : memref<33280x384xi32, #tpu.memory_space<hbm>> -> memref<33280x384xi32, #tpu.memory_space<hbm>>
    tpu.wait_indirect_dma semaphore(%arg9 : memref<!tpu.dma_semaphore, #tpu.memory_space<semaphore_mem>>) src(%arg6 : memref<128x384xi32, #tpu.memory_space<vmem>>) dst(%dma_wait3A_11 : memref<33280x384xi32, #tpu.memory_space<hbm>>)
    %dma_wait3A_12 = arith.constant 0 : i32
    %dma_wait3A_13 = arith.constant 0 : i32
    %dma_wait3A_14 = tpu.memref_slice %arg5[%dma_wait3A_12, %dma_wait3A_13] : memref<33280x384xi32, #tpu.memory_space<hbm>> -> memref<33280x384xi32, #tpu.memory_space<hbm>>
    tpu.wait_indirect_dma semaphore(%arg10 : memref<!tpu.dma_semaphore, #tpu.memory_space<semaphore_mem>>) src(%arg6 : memref<128x384xi32, #tpu.memory_space<vmem>>) dst(%dma_wait3A_14 : memref<33280x384xi32, #tpu.memory_space<hbm>>)
    return
  }
}

#map = affine_map<(d0, d1) -> (0, 0)>
#map1 = affine_map<(d0, d1) -> (0)>
module attributes {stable_mosaic.version = 14 : i64} {
  func.func @_collect_body(%arg0: i32, %arg1: i32, %arg2: memref<33280x384xi32, #tpu.memory_space<hbm>>, %arg3: memref<4096xi32, #tpu.memory_space<hbm>>, %arg4: memref<4096xi32, #tpu.memory_space<hbm>>, %arg5: memref<4096x384xi32, #tpu.memory_space<hbm>>, %arg6: memref<4096x384xi32, #tpu.memory_space<hbm>>, %arg7: memref<128x384xi32, #tpu.memory_space<vmem>>, %arg8: memref<128x384xi32, #tpu.memory_space<vmem>>, %arg9: memref<128xi32, #tpu.memory_space<vmem>>, %arg10: memref<128xi32, #tpu.memory_space<vmem>>, %arg11: memref<!tpu.dma_semaphore, #tpu.memory_space<semaphore_mem>>, %arg12: memref<!tpu.dma_semaphore, #tpu.memory_space<semaphore_mem>>) attributes {dimension_semantics = [#tpu.dimension_semantics<core_parallel>, #tpu.dimension_semantics<subcore_parallel>], iteration_bounds = array<i64: 2, 16>, scalar_prefetch = 0 : i64, scratch_operands = 6 : i64, tpu.core_type = #tpu.core_type<sc_vector_subcore>, window_params = [{transform_indices = #map}, {transform_indices = #map1}, {transform_indices = #map1}, {transform_indices = #map}, {transform_indices = #map}]} {
    %mul3A = arith.constant 2 : i32
    %mul3A_0 = arith.muli %arg1, %mul3A : i32
    %add3A = arith.addi %mul3A_0, %arg0 : i32
    %mul3A_1 = arith.constant 128 : i32
    %mul3A_2 = arith.muli %add3A, %mul3A_1 : i32
    %add3A_3 = arith.constant 0 : i32
    %add3A_4 = arith.addi %mul3A_2, %add3A_3 : i32
    "tpu.region"() ({
      %run_scoped3A = tpu.sem_alloc : memref<!tpu.dma_semaphore, #tpu.memory_space<semaphore_mem>>
      %dma_start3A_15 = tpu.memref_slice %arg3[%add3A_4] : memref<4096xi32, #tpu.memory_space<hbm>> -> memref<128xi32, #tpu.memory_space<hbm>>
      %dma_start3A_16 = tpu.memref_slice %arg3[%add3A_4] : memref<4096xi32, #tpu.memory_space<hbm>> -> memref<128xi32, #tpu.memory_space<hbm>>
      tpu.enqueue_dma source(%dma_start3A_16 : memref<128xi32, #tpu.memory_space<hbm>>) target(%arg9 : memref<128xi32, #tpu.memory_space<vmem>>) target_semaphore(%run_scoped3A : memref<!tpu.dma_semaphore, #tpu.memory_space<semaphore_mem>>)
      %dma_wait3A_17 = tpu.memref_slice %arg3[%add3A_4] : memref<4096xi32, #tpu.memory_space<hbm>> -> memref<128xi32, #tpu.memory_space<hbm>>
      %dma_wait3A_18 = tpu.memref_slice %arg3[%add3A_4] : memref<4096xi32, #tpu.memory_space<hbm>> -> memref<128xi32, #tpu.memory_space<hbm>>
      tpu.wait_dma2 semaphore(%run_scoped3A : memref<!tpu.dma_semaphore, #tpu.memory_space<semaphore_mem>>) src(%dma_wait3A_18 : memref<128xi32, #tpu.memory_space<hbm>>) dst(%arg9 : memref<128xi32, #tpu.memory_space<vmem>>)
      tpu.yield
    }) : () -> ()
    "tpu.region"() ({
      %run_scoped3A = tpu.sem_alloc : memref<!tpu.dma_semaphore, #tpu.memory_space<semaphore_mem>>
      %dma_start3A_15 = tpu.memref_slice %arg4[%add3A_4] : memref<4096xi32, #tpu.memory_space<hbm>> -> memref<128xi32, #tpu.memory_space<hbm>>
      %dma_start3A_16 = tpu.memref_slice %arg4[%add3A_4] : memref<4096xi32, #tpu.memory_space<hbm>> -> memref<128xi32, #tpu.memory_space<hbm>>
      tpu.enqueue_dma source(%dma_start3A_16 : memref<128xi32, #tpu.memory_space<hbm>>) target(%arg10 : memref<128xi32, #tpu.memory_space<vmem>>) target_semaphore(%run_scoped3A : memref<!tpu.dma_semaphore, #tpu.memory_space<semaphore_mem>>)
      %dma_wait3A_17 = tpu.memref_slice %arg4[%add3A_4] : memref<4096xi32, #tpu.memory_space<hbm>> -> memref<128xi32, #tpu.memory_space<hbm>>
      %dma_wait3A_18 = tpu.memref_slice %arg4[%add3A_4] : memref<4096xi32, #tpu.memory_space<hbm>> -> memref<128xi32, #tpu.memory_space<hbm>>
      tpu.wait_dma2 semaphore(%run_scoped3A : memref<!tpu.dma_semaphore, #tpu.memory_space<semaphore_mem>>) src(%dma_wait3A_18 : memref<128xi32, #tpu.memory_space<hbm>>) dst(%arg10 : memref<128xi32, #tpu.memory_space<vmem>>)
      tpu.yield
    }) : () -> ()
    %dma_start3A = arith.constant 0 : i32
    %dma_start3A_5 = arith.constant 0 : i32
    %dma_start3A_6 = tpu.memref_slice %arg2[%dma_start3A, %dma_start3A_5] : memref<33280x384xi32, #tpu.memory_space<hbm>> -> memref<33280x384xi32, #tpu.memory_space<hbm>>
    tpu.enqueue_indirect_dma source(%dma_start3A_6 : memref<33280x384xi32, #tpu.memory_space<hbm>>) target(%arg7 : memref<128x384xi32, #tpu.memory_space<vmem>>) offsets(%arg9 : memref<128xi32, #tpu.memory_space<vmem>>) semaphore(%arg11 : memref<!tpu.dma_semaphore, #tpu.memory_space<semaphore_mem>>)
    %dma_start3A_7 = arith.constant 0 : i32
    %dma_start3A_8 = arith.constant 0 : i32
    %dma_start3A_9 = tpu.memref_slice %arg2[%dma_start3A_7, %dma_start3A_8] : memref<33280x384xi32, #tpu.memory_space<hbm>> -> memref<33280x384xi32, #tpu.memory_space<hbm>>
    tpu.enqueue_indirect_dma source(%dma_start3A_9 : memref<33280x384xi32, #tpu.memory_space<hbm>>) target(%arg8 : memref<128x384xi32, #tpu.memory_space<vmem>>) offsets(%arg10 : memref<128xi32, #tpu.memory_space<vmem>>) semaphore(%arg12 : memref<!tpu.dma_semaphore, #tpu.memory_space<semaphore_mem>>)
    %dma_wait3A = arith.constant 0 : i32
    %dma_wait3A_10 = arith.constant 0 : i32
    %dma_wait3A_11 = tpu.memref_slice %arg2[%dma_wait3A, %dma_wait3A_10] : memref<33280x384xi32, #tpu.memory_space<hbm>> -> memref<33280x384xi32, #tpu.memory_space<hbm>>
    tpu.wait_indirect_dma semaphore(%arg11 : memref<!tpu.dma_semaphore, #tpu.memory_space<semaphore_mem>>) src(%dma_wait3A_11 : memref<33280x384xi32, #tpu.memory_space<hbm>>) dst(%arg7 : memref<128x384xi32, #tpu.memory_space<vmem>>)
    "tpu.region"() ({
      %run_scoped3A = tpu.sem_alloc : memref<!tpu.dma_semaphore, #tpu.memory_space<semaphore_mem>>
      %dma_start3A_15 = arith.constant 0 : i32
      %dma_start3A_16 = tpu.memref_slice %arg5[%add3A_4, %dma_start3A_15] : memref<4096x384xi32, #tpu.memory_space<hbm>> -> memref<128x384xi32, #tpu.memory_space<hbm>>
      %dma_start3A_17 = arith.constant 0 : i32
      %dma_start3A_18 = tpu.memref_slice %arg5[%add3A_4, %dma_start3A_17] : memref<4096x384xi32, #tpu.memory_space<hbm>> -> memref<128x384xi32, #tpu.memory_space<hbm>>
      tpu.enqueue_dma source(%arg7 : memref<128x384xi32, #tpu.memory_space<vmem>>) target(%dma_start3A_18 : memref<128x384xi32, #tpu.memory_space<hbm>>) target_semaphore(%run_scoped3A : memref<!tpu.dma_semaphore, #tpu.memory_space<semaphore_mem>>)
      %dma_wait3A_19 = arith.constant 0 : i32
      %dma_wait3A_20 = tpu.memref_slice %arg5[%add3A_4, %dma_wait3A_19] : memref<4096x384xi32, #tpu.memory_space<hbm>> -> memref<128x384xi32, #tpu.memory_space<hbm>>
      %dma_wait3A_21 = arith.constant 0 : i32
      %dma_wait3A_22 = tpu.memref_slice %arg5[%add3A_4, %dma_wait3A_21] : memref<4096x384xi32, #tpu.memory_space<hbm>> -> memref<128x384xi32, #tpu.memory_space<hbm>>
      tpu.wait_dma2 semaphore(%run_scoped3A : memref<!tpu.dma_semaphore, #tpu.memory_space<semaphore_mem>>) src(%arg7 : memref<128x384xi32, #tpu.memory_space<vmem>>) dst(%dma_wait3A_22 : memref<128x384xi32, #tpu.memory_space<hbm>>)
      tpu.yield
    }) : () -> ()
    %dma_wait3A_12 = arith.constant 0 : i32
    %dma_wait3A_13 = arith.constant 0 : i32
    %dma_wait3A_14 = tpu.memref_slice %arg2[%dma_wait3A_12, %dma_wait3A_13] : memref<33280x384xi32, #tpu.memory_space<hbm>> -> memref<33280x384xi32, #tpu.memory_space<hbm>>
    tpu.wait_indirect_dma semaphore(%arg12 : memref<!tpu.dma_semaphore, #tpu.memory_space<semaphore_mem>>) src(%dma_wait3A_14 : memref<33280x384xi32, #tpu.memory_space<hbm>>) dst(%arg8 : memref<128x384xi32, #tpu.memory_space<vmem>>)
    "tpu.region"() ({
      %run_scoped3A = tpu.sem_alloc : memref<!tpu.dma_semaphore, #tpu.memory_space<semaphore_mem>>
      %dma_start3A_15 = arith.constant 0 : i32
      %dma_start3A_16 = tpu.memref_slice %arg6[%add3A_4, %dma_start3A_15] : memref<4096x384xi32, #tpu.memory_space<hbm>> -> memref<128x384xi32, #tpu.memory_space<hbm>>
      %dma_start3A_17 = arith.constant 0 : i32
      %dma_start3A_18 = tpu.memref_slice %arg6[%add3A_4, %dma_start3A_17] : memref<4096x384xi32, #tpu.memory_space<hbm>> -> memref<128x384xi32, #tpu.memory_space<hbm>>
      tpu.enqueue_dma source(%arg8 : memref<128x384xi32, #tpu.memory_space<vmem>>) target(%dma_start3A_18 : memref<128x384xi32, #tpu.memory_space<hbm>>) target_semaphore(%run_scoped3A : memref<!tpu.dma_semaphore, #tpu.memory_space<semaphore_mem>>)
      %dma_wait3A_19 = arith.constant 0 : i32
      %dma_wait3A_20 = tpu.memref_slice %arg6[%add3A_4, %dma_wait3A_19] : memref<4096x384xi32, #tpu.memory_space<hbm>> -> memref<128x384xi32, #tpu.memory_space<hbm>>
      %dma_wait3A_21 = arith.constant 0 : i32
      %dma_wait3A_22 = tpu.memref_slice %arg6[%add3A_4, %dma_wait3A_21] : memref<4096x384xi32, #tpu.memory_space<hbm>> -> memref<128x384xi32, #tpu.memory_space<hbm>>
      tpu.wait_dma2 semaphore(%run_scoped3A : memref<!tpu.dma_semaphore, #tpu.memory_space<semaphore_mem>>) src(%arg8 : memref<128x384xi32, #tpu.memory_space<vmem>>) dst(%dma_wait3A_22 : memref<128x384xi32, #tpu.memory_space<hbm>>)
      tpu.yield
    }) : () -> ()
    return
  }
}

module attributes {stable_mosaic.version = 14 : i64} {
  func.func @_combine_kernel(%arg0: i32, %arg1: memref<512x384xi32, #tpu.memory_space<vmem>>, %arg2: memref<512x384xi32, #tpu.memory_space<vmem>>, %arg3: memref<512x1xf32, #tpu.memory_space<vmem>>, %arg4: memref<512x1xf32, #tpu.memory_space<vmem>>, %arg5: memref<1x768xf32, #tpu.memory_space<vmem>>, %arg6: memref<1x768xf32, #tpu.memory_space<vmem>>, %arg7: memref<512x768xf32, #tpu.memory_space<vmem>>) attributes {dimension_semantics = [#tpu.dimension_semantics<arbitrary>], iteration_bounds = array<i64: 8>, scalar_prefetch = 0 : i64, scratch_operands = 0 : i64, tpu.core_type = #tpu.core_type<tc>, window_params = [{transform_indices = @transform_0, window_bounds = array<i64: 512, 384>}, {transform_indices = @transform_1, window_bounds = array<i64: 512, 384>}, {transform_indices = @transform_2, window_bounds = array<i64: 512, 1>}, {transform_indices = @transform_3, window_bounds = array<i64: 512, 1>}, {pipeline_mode = #tpu.pipeline_mode<synchronous>, transform_indices = @transform_4, window_bounds = array<i64: 1, 768>}, {pipeline_mode = #tpu.pipeline_mode<synchronous>, transform_indices = @transform_5, window_bounds = array<i64: 1, 768>}, {transform_indices = @transform_6, window_bounds = array<i64: 512, 768>}]} {
    %get3A = arith.constant 0 : index
    %get3A_0 = arith.constant 0 : index
    %get3A_1 = vector.load %arg1[%get3A, %get3A_0] : memref<512x384xi32, #tpu.memory_space<vmem>>, vector<512x384xi32>
    %bitcast_convert_type3A = tpu.bitcast %get3A_1 : vector<512x384xi32> -> vector<512x384xi32>
    %and3A = arith.constant -65536 : i32
    %and3A_2 = vector.broadcast %and3A : i32 to vector<512x384xi32>
    %and3A_3 = arith.andi %bitcast_convert_type3A, %and3A_2 : vector<512x384xi32>
    %bitcast_convert_type3A_4 = tpu.bitcast %and3A_3 : vector<512x384xi32> -> vector<512x384xf32>
    %shift_left3A = arith.constant 16 : i32
    %shift_left3A_5 = vector.broadcast %shift_left3A : i32 to vector<512x384xi32>
    %shift_left3A_6 = arith.shli %bitcast_convert_type3A, %shift_left3A_5 : vector<512x384xi32>
    %bitcast_convert_type3A_7 = tpu.bitcast %shift_left3A_6 : vector<512x384xi32> -> vector<512x384xf32>
    %concatenate3A = tpu.concatenate %bitcast_convert_type3A_4, %bitcast_convert_type3A_7 in 1 : vector<512x384xf32>, vector<512x384xf32> -> vector<512x768xf32>
    %get3A_8 = arith.constant 0 : index
    %get3A_9 = arith.constant 0 : index
    %get3A_10 = vector.load %arg2[%get3A_8, %get3A_9] : memref<512x384xi32, #tpu.memory_space<vmem>>, vector<512x384xi32>
    %bitcast_convert_type3A_11 = tpu.bitcast %get3A_10 : vector<512x384xi32> -> vector<512x384xi32>
    %and3A_12 = arith.constant -65536 : i32
    %and3A_13 = vector.broadcast %and3A_12 : i32 to vector<512x384xi32>
    %and3A_14 = arith.andi %bitcast_convert_type3A_11, %and3A_13 : vector<512x384xi32>
    %bitcast_convert_type3A_15 = tpu.bitcast %and3A_14 : vector<512x384xi32> -> vector<512x384xf32>
    %shift_left3A_16 = arith.constant 16 : i32
    %shift_left3A_17 = vector.broadcast %shift_left3A_16 : i32 to vector<512x384xi32>
    %shift_left3A_18 = arith.shli %bitcast_convert_type3A_11, %shift_left3A_17 : vector<512x384xi32>
    %bitcast_convert_type3A_19 = tpu.bitcast %shift_left3A_18 : vector<512x384xi32> -> vector<512x384xf32>
    %concatenate3A_20 = tpu.concatenate %bitcast_convert_type3A_15, %bitcast_convert_type3A_19 in 1 : vector<512x384xf32>, vector<512x384xf32> -> vector<512x768xf32>
    %get3A_21 = arith.constant 0 : index
    %get3A_22 = arith.constant 0 : index
    %get3A_23 = vector.load %arg3[%get3A_21, %get3A_22] : memref<512x1xf32, #tpu.memory_space<vmem>>, vector<512x1xf32>
    %mul3A = vector.broadcast %get3A_23 : vector<512x1xf32> to vector<512x768xf32>
    %mul3A_24 = arith.mulf %mul3A, %concatenate3A : vector<512x768xf32>
    %get3A_25 = arith.constant 0 : index
    %get3A_26 = arith.constant 0 : index
    %get3A_27 = vector.load %arg4[%get3A_25, %get3A_26] : memref<512x1xf32, #tpu.memory_space<vmem>>, vector<512x1xf32>
    %mul3A_28 = vector.broadcast %get3A_27 : vector<512x1xf32> to vector<512x768xf32>
    %mul3A_29 = arith.mulf %mul3A_28, %concatenate3A_20 : vector<512x768xf32>
    %add3A = arith.addf %mul3A_24, %mul3A_29 : vector<512x768xf32>
    %reduce_sum3A = arith.constant dense<0.000000e+00> : vector<512xf32>
    %reduce_sum3A_30 = vector.multi_reduction <add>, %add3A, %reduce_sum3A [1] : vector<512x768xf32> to vector<512xf32>
    %broadcast_in_dim3A = vector.shape_cast %reduce_sum3A_30 : vector<512xf32> to vector<512x1xf32>
    %div3A = arith.constant 7.680000e+02 : f32
    %div3A_31 = vector.broadcast %div3A : f32 to vector<512x1xf32>
    %div3A_32 = arith.divf %broadcast_in_dim3A, %div3A_31 : vector<512x1xf32>
    %sub3A = vector.broadcast %div3A_32 : vector<512x1xf32> to vector<512x768xf32>
    %sub3A_33 = arith.subf %add3A, %sub3A : vector<512x768xf32>
    %integer_pow3A = arith.mulf %sub3A_33, %sub3A_33 : vector<512x768xf32>
    %reduce_sum3A_34 = arith.constant dense<0.000000e+00> : vector<512xf32>
    %reduce_sum3A_35 = vector.multi_reduction <add>, %integer_pow3A, %reduce_sum3A_34 [1] : vector<512x768xf32> to vector<512xf32>
    %broadcast_in_dim3A_36 = vector.shape_cast %reduce_sum3A_35 : vector<512xf32> to vector<512x1xf32>
    %div3A_37 = arith.constant 7.680000e+02 : f32
    %div3A_38 = vector.broadcast %div3A_37 : f32 to vector<512x1xf32>
    %div3A_39 = arith.divf %broadcast_in_dim3A_36, %div3A_38 : vector<512x1xf32>
    %sub3A_40 = vector.broadcast %div3A_32 : vector<512x1xf32> to vector<512x768xf32>
    %sub3A_41 = arith.subf %add3A, %sub3A_40 : vector<512x768xf32>
    %add3A_42 = arith.constant 9.99999974E-6 : f32
    %add3A_43 = vector.broadcast %add3A_42 : f32 to vector<512x1xf32>
    %add3A_44 = arith.addf %div3A_39, %add3A_43 : vector<512x1xf32>
    %rsqrt3A = math.rsqrt %add3A_44 : vector<512x1xf32>
    %mul3A_45 = vector.broadcast %rsqrt3A : vector<512x1xf32> to vector<512x768xf32>
    %mul3A_46 = arith.mulf %sub3A_41, %mul3A_45 : vector<512x768xf32>
    %get3A_47 = arith.constant 0 : index
    %get3A_48 = arith.constant 0 : index
    %get3A_49 = vector.load %arg5[%get3A_47, %get3A_48] : memref<1x768xf32, #tpu.memory_space<vmem>>, vector<1x768xf32>
    %mul3A_50 = vector.broadcast %get3A_49 : vector<1x768xf32> to vector<512x768xf32>
    %mul3A_51 = arith.mulf %mul3A_46, %mul3A_50 : vector<512x768xf32>
    %get3A_52 = arith.constant 0 : index
    %get3A_53 = arith.constant 0 : index
    %get3A_54 = vector.load %arg6[%get3A_52, %get3A_53] : memref<1x768xf32, #tpu.memory_space<vmem>>, vector<1x768xf32>
    %add3A_55 = vector.broadcast %get3A_54 : vector<1x768xf32> to vector<512x768xf32>
    %add3A_56 = arith.addf %mul3A_51, %add3A_55 : vector<512x768xf32>
    %swap3A = arith.constant 0 : index
    %swap3A_57 = arith.constant 0 : index
    %swap3A_58 = vector.load %arg7[%swap3A, %swap3A_57] : memref<512x768xf32, #tpu.memory_space<vmem>>, vector<512x768xf32>
    tpu.vector_store %arg7[%swap3A, %swap3A_57], %add3A_56 {strides = array<i32>} : memref<512x768xf32, #tpu.memory_space<vmem>>, vector<512x768xf32>,
    return
  }
  func.func @transform_0(%arg0: i32) -> (i32, i32) {
    %c0_i32 = arith.constant 0 : i32
    %c0_i32_0 = arith.constant 0 : i32
    return %arg0, %c0_i32 : i32, i32
  }
  func.func @transform_1(%arg0: i32) -> (i32, i32) {
    %c0_i32 = arith.constant 0 : i32
    %c0_i32_0 = arith.constant 0 : i32
    return %arg0, %c0_i32 : i32, i32
  }
  func.func @transform_2(%arg0: i32) -> (i32, i32) {
    %c0_i32 = arith.constant 0 : i32
    %c0_i32_0 = arith.constant 0 : i32
    return %arg0, %c0_i32 : i32, i32
  }
  func.func @transform_3(%arg0: i32) -> (i32, i32) {
    %c0_i32 = arith.constant 0 : i32
    %c0_i32_0 = arith.constant 0 : i32
    return %arg0, %c0_i32 : i32, i32
  }
  func.func @transform_4(%arg0: i32) -> (i32, i32) {
    %c0_i32 = arith.constant 0 : i32
    %c0_i32_0 = arith.constant 0 : i32
    %c0_i32_1 = arith.constant 0 : i32
    return %c0_i32, %c0_i32_0 : i32, i32
  }
  func.func @transform_5(%arg0: i32) -> (i32, i32) {
    %c0_i32 = arith.constant 0 : i32
    %c0_i32_0 = arith.constant 0 : i32
    %c0_i32_1 = arith.constant 0 : i32
    return %c0_i32, %c0_i32_0 : i32, i32
  }
  func.func @transform_6(%arg0: i32) -> (i32, i32) {
    %c0_i32 = arith.constant 0 : i32
    %c0_i32_0 = arith.constant 0 : i32
    return %arg0, %c0_i32 : i32, i32
  }
}

module attributes {stable_mosaic.version = 14 : i64} {
  func.func @_ffn_kernel(%arg0: i32, %arg1: memref<24xi32, #tpu.memory_space<smem>>, %arg2: memref<24xi32, #tpu.memory_space<smem>>, %arg3: memref<1xi32, #tpu.memory_space<smem>>, %arg4: memref<512x384xi32, #tpu.memory_space<vmem>>, %arg5: memref<1x768x768xf32, #tpu.memory_space<vmem>>, %arg6: memref<1x1x768xf32, #tpu.memory_space<vmem>>, %arg7: memref<1x768x768xf32, #tpu.memory_space<vmem>>, %arg8: memref<1x1x768xf32, #tpu.memory_space<vmem>>, %arg9: memref<1x768x768xf32, #tpu.memory_space<vmem>>, %arg10: memref<1x1x768xf32, #tpu.memory_space<vmem>>, %arg11: memref<512x384xi32, #tpu.memory_space<vmem>>, %arg12: memref<768x768xbf16, #tpu.memory_space<vmem>>, %arg13: memref<768x768xbf16, #tpu.memory_space<vmem>>, %arg14: memref<768x768xbf16, #tpu.memory_space<vmem>>) attributes {dimension_semantics = [#tpu.dimension_semantics<arbitrary>], iteration_bounds = array<i64: 24>, scalar_prefetch = 3 : i64, scratch_operands = 3 : i64, tpu.core_type = #tpu.core_type<tc>, window_params = [{transform_indices = @transform_0, window_bounds = array<i64: 512, 384>}, {transform_indices = @transform_1, window_bounds = array<i64: 1, 768, 768>}, {transform_indices = @transform_2, window_bounds = array<i64: 1, 1, 768>}, {transform_indices = @transform_3, window_bounds = array<i64: 1, 768, 768>}, {transform_indices = @transform_4, window_bounds = array<i64: 1, 1, 768>}, {transform_indices = @transform_5, window_bounds = array<i64: 1, 768, 768>}, {transform_indices = @transform_6, window_bounds = array<i64: 1, 1, 768>}, {transform_indices = @transform_7, window_bounds = array<i64: 512, 384>}]} {
    %get3A = arith.constant 0 : index
    %get3A_0 = memref.load %arg3[%get3A] : memref<1xi32, #tpu.memory_space<smem>>
    %eq3A = arith.constant 0 : i32
    %eq3A_1 = arith.cmpi eq, %arg0, %eq3A : i32
    %get3A_2 = arith.index_cast %arg0 : i32 to index
    %get3A_3 = memref.load %arg2[%get3A_2] : memref<24xi32, #tpu.memory_space<smem>>
    %sub3A = arith.constant 1 : i32
    %sub3A_4 = arith.subi %arg0, %sub3A : i32
    %max3A = arith.constant 0 : i32
    %max3A_5 = arith.maxsi %sub3A_4, %max3A : i32
    %get3A_6 = arith.index_cast %max3A_5 : i32 to index
    %get3A_7 = memref.load %arg2[%get3A_6] : memref<24xi32, #tpu.memory_space<smem>>
    %ne3A = arith.cmpi ne, %get3A_3, %get3A_7 : i32
    %or3A = arith.ori %eq3A_1, %ne3A : i1
    %lt3A = arith.cmpi slt, %arg0, %get3A_0 : i32
    %and3A = arith.andi %lt3A, %or3A : i1
    %convert_element_type3A = arith.extui %and3A : i1 to i32
    %cond3A = arith.constant 0 : i32
    %cond3A_8 = arith.cmpi ne, %convert_element_type3A, %cond3A : i32
    scf.if %cond3A_8 {
      %get3A_13 = arith.constant 0 : index
      %get3A_14 = arith.constant 0 : index
      %get3A_15 = arith.constant 0 : index
      %get3A_16 = vector.load %arg5[%get3A_13, %get3A_14, %get3A_15] : memref<1x768x768xf32, #tpu.memory_space<vmem>>, vector<1x768x768xf32>
      %get3A_17 = vector.shape_cast %get3A_16 : vector<1x768x768xf32> to vector<768x768xf32>
      %convert_element_type3A_18 = arith.truncf %get3A_17 : vector<768x768xf32> to vector<768x768xbf16>
      %swap3A = arith.constant 0 : index
      %swap3A_19 = arith.constant 0 : index
      %swap3A_20 = vector.load %arg12[%swap3A, %swap3A_19] : memref<768x768xbf16, #tpu.memory_space<vmem>>, vector<768x768xbf16>
      tpu.vector_store %arg12[%swap3A, %swap3A_19], %convert_element_type3A_18 {strides = array<i32>} : memref<768x768xbf16, #tpu.memory_space<vmem>>, vector<768x768xbf16>,
      %get3A_21 = arith.constant 0 : index
      %get3A_22 = arith.constant 0 : index
      %get3A_23 = arith.constant 0 : index
      %get3A_24 = vector.load %arg7[%get3A_21, %get3A_22, %get3A_23] : memref<1x768x768xf32, #tpu.memory_space<vmem>>, vector<1x768x768xf32>
      %get3A_25 = vector.shape_cast %get3A_24 : vector<1x768x768xf32> to vector<768x768xf32>
      %convert_element_type3A_26 = arith.truncf %get3A_25 : vector<768x768xf32> to vector<768x768xbf16>
      %swap3A_27 = arith.constant 0 : index
      %swap3A_28 = arith.constant 0 : index
      %swap3A_29 = vector.load %arg13[%swap3A_27, %swap3A_28] : memref<768x768xbf16, #tpu.memory_space<vmem>>, vector<768x768xbf16>
      tpu.vector_store %arg13[%swap3A_27, %swap3A_28], %convert_element_type3A_26 {strides = array<i32>} : memref<768x768xbf16, #tpu.memory_space<vmem>>, vector<768x768xbf16>,
      %get3A_30 = arith.constant 0 : index
      %get3A_31 = arith.constant 0 : index
      %get3A_32 = arith.constant 0 : index
      %get3A_33 = vector.load %arg9[%get3A_30, %get3A_31, %get3A_32] : memref<1x768x768xf32, #tpu.memory_space<vmem>>, vector<1x768x768xf32>
      %get3A_34 = vector.shape_cast %get3A_33 : vector<1x768x768xf32> to vector<768x768xf32>
      %convert_element_type3A_35 = arith.truncf %get3A_34 : vector<768x768xf32> to vector<768x768xbf16>
      %swap3A_36 = arith.constant 0 : index
      %swap3A_37 = arith.constant 0 : index
      %swap3A_38 = vector.load %arg14[%swap3A_36, %swap3A_37] : memref<768x768xbf16, #tpu.memory_space<vmem>>, vector<768x768xbf16>
      tpu.vector_store %arg14[%swap3A_36, %swap3A_37], %convert_element_type3A_35 {strides = array<i32>} : memref<768x768xbf16, #tpu.memory_space<vmem>>, vector<768x768xbf16>,
    } else {
    }
    %lt3A_9 = arith.cmpi slt, %arg0, %get3A_0 : i32
    %convert_element_type3A_10 = arith.extui %lt3A_9 : i1 to i32
    %cond3A_11 = arith.constant 0 : i32
    %cond3A_12 = arith.cmpi ne, %convert_element_type3A_10, %cond3A_11 : i32
    scf.if %cond3A_12 {
      %get3A_13 = arith.constant 0 : index
      %get3A_14 = arith.constant 0 : index
      %get3A_15 = vector.load %arg4[%get3A_13, %get3A_14] : memref<512x384xi32, #tpu.memory_space<vmem>>, vector<512x384xi32>
      %bitcast_convert_type3A = tpu.bitcast %get3A_15 : vector<512x384xi32> -> vector<512x384xi32>
      %and3A_16 = arith.constant -65536 : i32
      %and3A_17 = vector.broadcast %and3A_16 : i32 to vector<512x384xi32>
      %and3A_18 = arith.andi %bitcast_convert_type3A, %and3A_17 : vector<512x384xi32>
      %bitcast_convert_type3A_19 = tpu.bitcast %and3A_18 : vector<512x384xi32> -> vector<512x384xf32>
      %shift_left3A = arith.constant 16 : i32
      %shift_left3A_20 = vector.broadcast %shift_left3A : i32 to vector<512x384xi32>
      %shift_left3A_21 = arith.shli %bitcast_convert_type3A, %shift_left3A_20 : vector<512x384xi32>
      %bitcast_convert_type3A_22 = tpu.bitcast %shift_left3A_21 : vector<512x384xi32> -> vector<512x384xf32>
      %concatenate3A = tpu.concatenate %bitcast_convert_type3A_19, %bitcast_convert_type3A_22 in 1 : vector<512x384xf32>, vector<512x384xf32> -> vector<512x768xf32>
      %convert_element_type3A_23 = arith.truncf %concatenate3A : vector<512x768xf32> to vector<512x768xbf16>
      %get3A_24 = arith.constant 0 : index
      %get3A_25 = arith.constant 0 : index
      %get3A_26 = vector.load %arg12[%get3A_24, %get3A_25] : memref<768x768xbf16, #tpu.memory_space<vmem>>, vector<768x768xbf16>
      %dot_general3A = arith.constant dense<0.000000e+00> : vector<512x768xf32>
      %dot_general3A_27 = tpu.matmul %convert_element_type3A_23, %get3A_26, %dot_general3A {dimension_numbers = #tpu.dot_dimension_numbers<[1], [0], [0], [1], [0, 0, 1, 1], [], []>, transpose_lhs_hint = false} : vector<512x768xbf16>, vector<768x768xbf16>, vector<512x768xf32> -> vector<512x768xf32>
      %get3A_28 = arith.constant 0 : index
      %get3A_29 = arith.constant 0 : index
      %get3A_30 = arith.constant 0 : index
      %get3A_31 = vector.load %arg6[%get3A_28, %get3A_29, %get3A_30] : memref<1x1x768xf32, #tpu.memory_space<vmem>>, vector<1x1x768xf32>
      %get3A_32 = vector.shape_cast %get3A_31 : vector<1x1x768xf32> to vector<1x768xf32>
      %add3A = vector.broadcast %get3A_32 : vector<1x768xf32> to vector<512x768xf32>
      %add3A_33 = arith.addf %dot_general3A_27, %add3A : vector<512x768xf32>
      %mul3A = arith.constant 5.000000e-01 : f32
      %mul3A_34 = vector.broadcast %mul3A : f32 to vector<512x768xf32>
      %mul3A_35 = arith.mulf %mul3A_34, %add3A_33 : vector<512x768xf32>
      %mul3A_36 = arith.constant 0.707106769 : f32
      %mul3A_37 = vector.broadcast %mul3A_36 : f32 to vector<512x768xf32>
      %mul3A_38 = arith.mulf %add3A_33, %mul3A_37 : vector<512x768xf32>
      %erf3A = math.erf %mul3A_38 : vector<512x768xf32>
      %add3A_39 = arith.constant 1.000000e+00 : f32
      %add3A_40 = vector.broadcast %add3A_39 : f32 to vector<512x768xf32>
      %add3A_41 = arith.addf %add3A_40, %erf3A : vector<512x768xf32>
      %mul3A_42 = arith.mulf %mul3A_35, %add3A_41 : vector<512x768xf32>
      %convert_element_type3A_43 = arith.truncf %mul3A_42 : vector<512x768xf32> to vector<512x768xbf16>
      %get3A_44 = arith.constant 0 : index
      %get3A_45 = arith.constant 0 : index
      %get3A_46 = vector.load %arg13[%get3A_44, %get3A_45] : memref<768x768xbf16, #tpu.memory_space<vmem>>, vector<768x768xbf16>
      %dot_general3A_47 = arith.constant dense<0.000000e+00> : vector<512x768xf32>
      %dot_general3A_48 = tpu.matmul %convert_element_type3A_43, %get3A_46, %dot_general3A_47 {dimension_numbers = #tpu.dot_dimension_numbers<[1], [0], [0], [1], [0, 0, 1, 1], [], []>, transpose_lhs_hint = false} : vector<512x768xbf16>, vector<768x768xbf16>, vector<512x768xf32> -> vector<512x768xf32>
      %get3A_49 = arith.constant 0 : index
      %get3A_50 = arith.constant 0 : index
      %get3A_51 = arith.constant 0 : index
      %get3A_52 = vector.load %arg8[%get3A_49, %get3A_50, %get3A_51] : memref<1x1x768xf32, #tpu.memory_space<vmem>>, vector<1x1x768xf32>
      %get3A_53 = vector.shape_cast %get3A_52 : vector<1x1x768xf32> to vector<1x768xf32>
      %add3A_54 = vector.broadcast %get3A_53 : vector<1x768xf32> to vector<512x768xf32>
      %add3A_55 = arith.addf %dot_general3A_48, %add3A_54 : vector<512x768xf32>
      %mul3A_56 = arith.constant 5.000000e-01 : f32
      %mul3A_57 = vector.broadcast %mul3A_56 : f32 to vector<512x768xf32>
      %mul3A_58 = arith.mulf %mul3A_57, %add3A_55 : vector<512x768xf32>
      %mul3A_59 = arith.constant 0.707106769 : f32
      %mul3A_60 = vector.broadcast %mul3A_59 : f32 to vector<512x768xf32>
      %mul3A_61 = arith.mulf %add3A_55, %mul3A_60 : vector<512x768xf32>
      %erf3A_62 = math.erf %mul3A_61 : vector<512x768xf32>
      %add3A_63 = arith.constant 1.000000e+00 : f32
      %add3A_64 = vector.broadcast %add3A_63 : f32 to vector<512x768xf32>
      %add3A_65 = arith.addf %add3A_64, %erf3A_62 : vector<512x768xf32>
      %mul3A_66 = arith.mulf %mul3A_58, %add3A_65 : vector<512x768xf32>
      %convert_element_type3A_67 = arith.truncf %mul3A_66 : vector<512x768xf32> to vector<512x768xbf16>
      %get3A_68 = arith.constant 0 : index
      %get3A_69 = arith.constant 0 : index
      %get3A_70 = vector.load %arg14[%get3A_68, %get3A_69] : memref<768x768xbf16, #tpu.memory_space<vmem>>, vector<768x768xbf16>
      %dot_general3A_71 = arith.constant dense<0.000000e+00> : vector<512x768xf32>
      %dot_general3A_72 = tpu.matmul %convert_element_type3A_67, %get3A_70, %dot_general3A_71 {dimension_numbers = #tpu.dot_dimension_numbers<[1], [0], [0], [1], [0, 0, 1, 1], [], []>, transpose_lhs_hint = false} : vector<512x768xbf16>, vector<768x768xbf16>, vector<512x768xf32> -> vector<512x768xf32>
      %get3A_73 = arith.constant 0 : index
      %get3A_74 = arith.constant 0 : index
      %get3A_75 = arith.constant 0 : index
      %get3A_76 = vector.load %arg10[%get3A_73, %get3A_74, %get3A_75] : memref<1x1x768xf32, #tpu.memory_space<vmem>>, vector<1x1x768xf32>
      %get3A_77 = vector.shape_cast %get3A_76 : vector<1x1x768xf32> to vector<1x768xf32>
      %add3A_78 = vector.broadcast %get3A_77 : vector<1x768xf32> to vector<512x768xf32>
      %add3A_79 = arith.addf %dot_general3A_72, %add3A_78 : vector<512x768xf32>
      %slice3A = vector.extract_strided_slice %add3A_79 {offsets = [0, 0], sizes = [512, 384], strides = [1, 1]} : vector<512x768xf32> to vector<512x384xf32>
      %slice3A_80 = vector.extract_strided_slice %add3A_79 {offsets = [0, 384], sizes = [512, 384], strides = [1, 1]} : vector<512x768xf32> to vector<512x384xf32>
      %bitcast_convert_type3A_81 = tpu.bitcast %slice3A : vector<512x384xf32> -> vector<512x384xi32>
      %add3A_82 = arith.constant 32768 : i32
      %add3A_83 = vector.broadcast %add3A_82 : i32 to vector<512x384xi32>
      %add3A_84 = arith.addi %bitcast_convert_type3A_81, %add3A_83 : vector<512x384xi32>
      %bitcast_convert_type3A_85 = tpu.bitcast %slice3A_80 : vector<512x384xf32> -> vector<512x384xi32>
      %add3A_86 = arith.constant 32768 : i32
      %add3A_87 = vector.broadcast %add3A_86 : i32 to vector<512x384xi32>
      %add3A_88 = arith.addi %bitcast_convert_type3A_85, %add3A_87 : vector<512x384xi32>
      %and3A_89 = arith.constant -65536 : i32
      %and3A_90 = vector.broadcast %and3A_89 : i32 to vector<512x384xi32>
      %and3A_91 = arith.andi %add3A_84, %and3A_90 : vector<512x384xi32>
      %shift_right_logical3A = arith.constant 16 : i32
      %shift_right_logical3A_92 = vector.broadcast %shift_right_logical3A : i32 to vector<512x384xi32>
      %shift_right_logical3A_93 = arith.shrui %add3A_88, %shift_right_logical3A_92 : vector<512x384xi32>
      %or3A_94 = arith.ori %and3A_91, %shift_right_logical3A_93 : vector<512x384xi32>
      %bitcast_convert_type3A_95 = tpu.bitcast %or3A_94 : vector<512x384xi32> -> vector<512x384xi32>
      %swap3A = arith.constant 0 : index
      %swap3A_96 = arith.constant 0 : index
      %swap3A_97 = vector.load %arg11[%swap3A, %swap3A_96] : memref<512x384xi32, #tpu.memory_space<vmem>>, vector<512x384xi32>
      tpu.vector_store %arg11[%swap3A, %swap3A_96], %bitcast_convert_type3A_95 {strides = array<i32>} : memref<512x384xi32, #tpu.memory_space<vmem>>, vector<512x384xi32>,
    } else {
    }
    return
  }
  func.func @transform_0(%arg0: i32, %arg1: memref<24xi32, #tpu.memory_space<smem>>, %arg2: memref<24xi32, #tpu.memory_space<smem>>, %arg3: memref<1xi32, #tpu.memory_space<smem>>) -> (i32, i32) {
    %get3A = arith.index_cast %arg0 : i32 to index
    %get3A_0 = memref.load %arg1[%get3A] : memref<24xi32, #tpu.memory_space<smem>>
    %c0_i32 = arith.constant 0 : i32
    %c0_i32_1 = arith.constant 0 : i32
    return %get3A_0, %c0_i32 : i32, i32
  }
  func.func @transform_1(%arg0: i32, %arg1: memref<24xi32, #tpu.memory_space<smem>>, %arg2: memref<24xi32, #tpu.memory_space<smem>>, %arg3: memref<1xi32, #tpu.memory_space<smem>>) -> (i32, i32, i32) {
    %get3A = arith.index_cast %arg0 : i32 to index
    %get3A_0 = memref.load %arg2[%get3A] : memref<24xi32, #tpu.memory_space<smem>>
    %c0_i32 = arith.constant 0 : i32
    %c0_i32_1 = arith.constant 0 : i32
    %c0_i32_2 = arith.constant 0 : i32
    return %get3A_0, %c0_i32, %c0_i32_1 : i32, i32, i32
  }
  func.func @transform_2(%arg0: i32, %arg1: memref<24xi32, #tpu.memory_space<smem>>, %arg2: memref<24xi32, #tpu.memory_space<smem>>, %arg3: memref<1xi32, #tpu.memory_space<smem>>) -> (i32, i32, i32) {
    %get3A = arith.index_cast %arg0 : i32 to index
    %get3A_0 = memref.load %arg2[%get3A] : memref<24xi32, #tpu.memory_space<smem>>
    %c0_i32 = arith.constant 0 : i32
    %c0_i32_1 = arith.constant 0 : i32
    %c0_i32_2 = arith.constant 0 : i32
    return %get3A_0, %c0_i32, %c0_i32_1 : i32, i32, i32
  }
  func.func @transform_3(%arg0: i32, %arg1: memref<24xi32, #tpu.memory_space<smem>>, %arg2: memref<24xi32, #tpu.memory_space<smem>>, %arg3: memref<1xi32, #tpu.memory_space<smem>>) -> (i32, i32, i32) {
    %get3A = arith.index_cast %arg0 : i32 to index
    %get3A_0 = memref.load %arg2[%get3A] : memref<24xi32, #tpu.memory_space<smem>>
    %c0_i32 = arith.constant 0 : i32
    %c0_i32_1 = arith.constant 0 : i32
    %c0_i32_2 = arith.constant 0 : i32
    return %get3A_0, %c0_i32, %c0_i32_1 : i32, i32, i32
  }
  func.func @transform_4(%arg0: i32, %arg1: memref<24xi32, #tpu.memory_space<smem>>, %arg2: memref<24xi32, #tpu.memory_space<smem>>, %arg3: memref<1xi32, #tpu.memory_space<smem>>) -> (i32, i32, i32) {
    %get3A = arith.index_cast %arg0 : i32 to index
    %get3A_0 = memref.load %arg2[%get3A] : memref<24xi32, #tpu.memory_space<smem>>
    %c0_i32 = arith.constant 0 : i32
    %c0_i32_1 = arith.constant 0 : i32
    %c0_i32_2 = arith.constant 0 : i32
    return %get3A_0, %c0_i32, %c0_i32_1 : i32, i32, i32
  }
  func.func @transform_5(%arg0: i32, %arg1: memref<24xi32, #tpu.memory_space<smem>>, %arg2: memref<24xi32, #tpu.memory_space<smem>>, %arg3: memref<1xi32, #tpu.memory_space<smem>>) -> (i32, i32, i32) {
    %get3A = arith.index_cast %arg0 : i32 to index
    %get3A_0 = memref.load %arg2[%get3A] : memref<24xi32, #tpu.memory_space<smem>>
    %c0_i32 = arith.constant 0 : i32
    %c0_i32_1 = arith.constant 0 : i32
    %c0_i32_2 = arith.constant 0 : i32
    return %get3A_0, %c0_i32, %c0_i32_1 : i32, i32, i32
  }
  func.func @transform_6(%arg0: i32, %arg1: memref<24xi32, #tpu.memory_space<smem>>, %arg2: memref<24xi32, #tpu.memory_space<smem>>, %arg3: memref<1xi32, #tpu.memory_space<smem>>) -> (i32, i32, i32) {
    %get3A = arith.index_cast %arg0 : i32 to index
    %get3A_0 = memref.load %arg2[%get3A] : memref<24xi32, #tpu.memory_space<smem>>
    %c0_i32 = arith.constant 0 : i32
    %c0_i32_1 = arith.constant 0 : i32
    %c0_i32_2 = arith.constant 0 : i32
    return %get3A_0, %c0_i32, %c0_i32_1 : i32, i32, i32
  }
  func.func @transform_7(%arg0: i32, %arg1: memref<24xi32, #tpu.memory_space<smem>>, %arg2: memref<24xi32, #tpu.memory_space<smem>>, %arg3: memref<1xi32, #tpu.memory_space<smem>>) -> (i32, i32) {
    %get3A = arith.index_cast %arg0 : i32 to index
    %get3A_0 = memref.load %arg1[%get3A] : memref<24xi32, #tpu.memory_space<smem>>
    %c0_i32 = arith.constant 0 : i32
    %c0_i32_1 = arith.constant 0 : i32
    return %get3A_0, %c0_i32 : i32, i32
  }
}

module attributes {stable_mosaic.version = 14 : i64} {
  func.func @_router_kernel(%arg0: i32, %arg1: memref<512x768xf32, #tpu.memory_space<vmem>>, %arg2: memref<768x8xf32, #tpu.memory_space<vmem>>, %arg3: memref<512x384xi32, #tpu.memory_space<vmem>>, %arg4: memref<512x1xf32, #tpu.memory_space<vmem>>, %arg5: memref<512x1xf32, #tpu.memory_space<vmem>>, %arg6: memref<512x1xi32, #tpu.memory_space<vmem>>, %arg7: memref<512x1xi32, #tpu.memory_space<vmem>>, %arg8: memref<1x24xi32, #tpu.memory_space<vmem>>, %arg9: memref<1x24xi32, #tpu.memory_space<vmem>>, %arg10: memref<1x1xi32, #tpu.memory_space<vmem>>, %arg11: memref<1x1xf32, #tpu.memory_space<vmem>>, %arg12: memref<1x8xf32, #tpu.memory_space<vmem>>, %arg13: memref<1x8xf32, #tpu.memory_space<vmem>>, %arg14: memref<512x512xbf16, #tpu.memory_space<vmem>>) attributes {dimension_semantics = [#tpu.dimension_semantics<arbitrary>], iteration_bounds = array<i64: 9>, scalar_prefetch = 0 : i64, scratch_operands = 3 : i64, tpu.core_type = #tpu.core_type<tc>, window_params = [{transform_indices = @transform_0, window_bounds = array<i64: 512, 768>}, {pipeline_mode = #tpu.pipeline_mode<synchronous>, transform_indices = @transform_1, window_bounds = array<i64: 768, 8>}, {transform_indices = @transform_2, window_bounds = array<i64: 512, 384>}, {transform_indices = @transform_3, window_bounds = array<i64: 512, 1>}, {transform_indices = @transform_4, window_bounds = array<i64: 512, 1>}, {transform_indices = @transform_5, window_bounds = array<i64: 512, 1>}, {transform_indices = @transform_6, window_bounds = array<i64: 512, 1>}, {pipeline_mode = #tpu.pipeline_mode<synchronous>, transform_indices = @transform_7, window_bounds = array<i64: 1, 24>}, {pipeline_mode = #tpu.pipeline_mode<synchronous>, transform_indices = @transform_8, window_bounds = array<i64: 1, 24>}, {pipeline_mode = #tpu.pipeline_mode<synchronous>, transform_indices = @transform_9, window_bounds = array<i64: 1, 1>}, {pipeline_mode = #tpu.pipeline_mode<synchronous>, transform_indices = @transform_10, window_bounds = array<i64: 1, 1>}]} {
    %eq3A = arith.constant 0 : i32
    %eq3A_0 = arith.cmpi eq, %arg0, %eq3A : i32
    %convert_element_type3A = arith.extui %eq3A_0 : i1 to i32
    %cond3A = arith.constant 0 : i32
    %cond3A_1 = arith.cmpi ne, %convert_element_type3A, %cond3A : i32
    scf.if %cond3A_1 {
      %broadcast_in_dim3A = arith.constant 0.000000e+00 : f32
      %broadcast_in_dim3A_11 = vector.broadcast %broadcast_in_dim3A : f32 to vector<1x8xf32>
      %swap3A = arith.constant 0 : index
      %swap3A_12 = arith.constant 0 : index
      %swap3A_13 = vector.load %arg12[%swap3A, %swap3A_12] : memref<1x8xf32, #tpu.memory_space<vmem>>, vector<1x8xf32>
      tpu.vector_store %arg12[%swap3A, %swap3A_12], %broadcast_in_dim3A_11 {strides = array<i32>} : memref<1x8xf32, #tpu.memory_space<vmem>>, vector<1x8xf32>,
      %broadcast_in_dim3A_14 = arith.constant 0.000000e+00 : f32
      %broadcast_in_dim3A_15 = vector.broadcast %broadcast_in_dim3A_14 : f32 to vector<1x8xf32>
      %swap3A_16 = arith.constant 0 : index
      %swap3A_17 = arith.constant 0 : index
      %swap3A_18 = vector.load %arg13[%swap3A_16, %swap3A_17] : memref<1x8xf32, #tpu.memory_space<vmem>>, vector<1x8xf32>
      tpu.vector_store %arg13[%swap3A_16, %swap3A_17], %broadcast_in_dim3A_15 {strides = array<i32>} : memref<1x8xf32, #tpu.memory_space<vmem>>, vector<1x8xf32>,
      %iota3A = tpu.iota {dimensions = array<i32: 0>} : vector<512x512xi32>
      %iota3A_19 = tpu.iota {dimensions = array<i32: 1>} : vector<512x512xi32>
      %lt3A_20 = arith.cmpi slt, %iota3A_19, %iota3A : vector<512x512xi32>
      %convert_element_type3A_21 = arith.extui %lt3A_20 : vector<512x512xi1> to vector<512x512xi32>
      %convert_element_type3A_22 = arith.sitofp %convert_element_type3A_21 : vector<512x512xi32> to vector<512x512xf32>
      %convert_element_type3A_23 = arith.truncf %convert_element_type3A_22 : vector<512x512xf32> to vector<512x512xbf16>
      %swap3A_24 = arith.constant 0 : index
      %swap3A_25 = arith.constant 0 : index
      %swap3A_26 = vector.load %arg14[%swap3A_24, %swap3A_25] : memref<512x512xbf16, #tpu.memory_space<vmem>>, vector<512x512xbf16>
      tpu.vector_store %arg14[%swap3A_24, %swap3A_25], %convert_element_type3A_23 {strides = array<i32>} : memref<512x512xbf16, #tpu.memory_space<vmem>>, vector<512x512xbf16>,
    } else {
    }
    %lt3A = arith.constant 8 : i32
    %lt3A_2 = arith.cmpi slt, %arg0, %lt3A : i32
    %convert_element_type3A_3 = arith.extui %lt3A_2 : i1 to i32
    %cond3A_4 = arith.constant 0 : i32
    %cond3A_5 = arith.cmpi ne, %convert_element_type3A_3, %cond3A_4 : i32
    scf.if %cond3A_5 {
      %get3A = arith.constant 0 : index
      %get3A_11 = arith.constant 0 : index
      %get3A_12 = vector.load %arg1[%get3A, %get3A_11] : memref<512x768xf32, #tpu.memory_space<vmem>>, vector<512x768xf32>
      %slice3A = vector.extract_strided_slice %get3A_12 {offsets = [0, 0], sizes = [512, 384], strides = [1, 1]} : vector<512x768xf32> to vector<512x384xf32>
      %slice3A_13 = vector.extract_strided_slice %get3A_12 {offsets = [0, 384], sizes = [512, 384], strides = [1, 1]} : vector<512x768xf32> to vector<512x384xf32>
      %bitcast_convert_type3A = tpu.bitcast %slice3A : vector<512x384xf32> -> vector<512x384xi32>
      %add3A = arith.constant 32768 : i32
      %add3A_14 = vector.broadcast %add3A : i32 to vector<512x384xi32>
      %add3A_15 = arith.addi %bitcast_convert_type3A, %add3A_14 : vector<512x384xi32>
      %bitcast_convert_type3A_16 = tpu.bitcast %slice3A_13 : vector<512x384xf32> -> vector<512x384xi32>
      %add3A_17 = arith.constant 32768 : i32
      %add3A_18 = vector.broadcast %add3A_17 : i32 to vector<512x384xi32>
      %add3A_19 = arith.addi %bitcast_convert_type3A_16, %add3A_18 : vector<512x384xi32>
      %and3A = arith.constant -65536 : i32
      %and3A_20 = vector.broadcast %and3A : i32 to vector<512x384xi32>
      %and3A_21 = arith.andi %add3A_15, %and3A_20 : vector<512x384xi32>
      %shift_right_logical3A = arith.constant 16 : i32
      %shift_right_logical3A_22 = vector.broadcast %shift_right_logical3A : i32 to vector<512x384xi32>
      %shift_right_logical3A_23 = arith.shrui %add3A_19, %shift_right_logical3A_22 : vector<512x384xi32>
      %or3A = arith.ori %and3A_21, %shift_right_logical3A_23 : vector<512x384xi32>
      %bitcast_convert_type3A_24 = tpu.bitcast %or3A : vector<512x384xi32> -> vector<512x384xi32>
      %swap3A = arith.constant 0 : index
      %swap3A_25 = arith.constant 0 : index
      %swap3A_26 = vector.load %arg3[%swap3A, %swap3A_25] : memref<512x384xi32, #tpu.memory_space<vmem>>, vector<512x384xi32>
      tpu.vector_store %arg3[%swap3A, %swap3A_25], %bitcast_convert_type3A_24 {strides = array<i32>} : memref<512x384xi32, #tpu.memory_space<vmem>>, vector<512x384xi32>,
      %get3A_27 = arith.constant 0 : index
      %get3A_28 = arith.constant 0 : index
      %get3A_29 = vector.load %arg2[%get3A_27, %get3A_28] : memref<768x8xf32, #tpu.memory_space<vmem>>, vector<768x8xf32>
      %dot_general3A = arith.constant dense<0.000000e+00> : vector<512x8xf32>
      %dot_general3A_30 = tpu.matmul %get3A_12, %get3A_29, %dot_general3A {dimension_numbers = #tpu.dot_dimension_numbers<[1], [0], [0], [1], [0, 0, 1, 1], [], []>, transpose_lhs_hint = false} : vector<512x768xf32>, vector<768x8xf32>, vector<512x8xf32> -> vector<512x8xf32>
      %iota3A = tpu.iota {dimensions = array<i32: 1>} : vector<512x8xi32>
      %reduce_max3A = arith.constant dense<0xFF800000> : vector<512xf32>
      %reduce_max3A_31 = vector.multi_reduction <maximumf>, %dot_general3A_30, %reduce_max3A [1] : vector<512x8xf32> to vector<512xf32>
      %broadcast_in_dim3A = vector.shape_cast %reduce_max3A_31 : vector<512xf32> to vector<512x1xf32>
      %argmax3A = tpu.reduce_index %dot_general3A_30 {axis = 1 : i32, kind = #tpu.reduction_kind<arg_max>} : vector<512x8xf32> -> vector<512xi32>
      %broadcast_in_dim3A_32 = vector.shape_cast %argmax3A : vector<512xi32> to vector<512x1xi32>
      %eq3A_33 = vector.broadcast %broadcast_in_dim3A_32 : vector<512x1xi32> to vector<512x8xi32>
      %eq3A_34 = arith.cmpi eq, %iota3A, %eq3A_33 : vector<512x8xi32>
      %jit3A = arith.constant 0xFF800000 : f32
      %broadcast_in_dim3A_35 = vector.broadcast %jit3A : f32 to vector<512x8xf32>
      %select_n3A = arith.select %eq3A_34, %broadcast_in_dim3A_35, %dot_general3A_30 : vector<512x8xi1>, vector<512x8xf32>
      %reduce_max3A_36 = arith.constant dense<0xFF800000> : vector<512xf32>
      %reduce_max3A_37 = vector.multi_reduction <maximumf>, %select_n3A, %reduce_max3A_36 [1] : vector<512x8xf32> to vector<512xf32>
      %broadcast_in_dim3A_38 = vector.shape_cast %reduce_max3A_37 : vector<512xf32> to vector<512x1xf32>
      %argmax3A_39 = tpu.reduce_index %select_n3A {axis = 1 : i32, kind = #tpu.reduction_kind<arg_max>} : vector<512x8xf32> -> vector<512xi32>
      %broadcast_in_dim3A_40 = vector.shape_cast %argmax3A_39 : vector<512xi32> to vector<512x1xi32>
      %sub3A = arith.subf %broadcast_in_dim3A_38, %broadcast_in_dim3A : vector<512x1xf32>
      %exp3A = math.exp %sub3A : vector<512x1xf32>
      %add3A_41 = arith.constant 1.000000e+00 : f32
      %add3A_42 = vector.broadcast %add3A_41 : f32 to vector<512x1xf32>
      %add3A_43 = arith.addf %add3A_42, %exp3A : vector<512x1xf32>
      %div3A = arith.constant 1.000000e+00 : f32
      %div3A_44 = vector.broadcast %div3A : f32 to vector<512x1xf32>
      %div3A_45 = arith.divf %div3A_44, %add3A_43 : vector<512x1xf32>
      %sub3A_46 = arith.constant 1.000000e+00 : f32
      %sub3A_47 = vector.broadcast %sub3A_46 : f32 to vector<512x1xf32>
      %sub3A_48 = arith.subf %sub3A_47, %div3A_45 : vector<512x1xf32>
      %eq3A_49 = vector.broadcast %broadcast_in_dim3A_32 : vector<512x1xi32> to vector<512x8xi32>
      %eq3A_50 = arith.cmpi eq, %iota3A, %eq3A_49 : vector<512x8xi32>
      %convert_element_type3A_51 = arith.extui %eq3A_50 : vector<512x8xi1> to vector<512x8xi32>
      %convert_element_type3A_52 = arith.sitofp %convert_element_type3A_51 : vector<512x8xi32> to vector<512x8xf32>
      %eq3A_53 = vector.broadcast %broadcast_in_dim3A_40 : vector<512x1xi32> to vector<512x8xi32>
      %eq3A_54 = arith.cmpi eq, %iota3A, %eq3A_53 : vector<512x8xi32>
      %convert_element_type3A_55 = arith.extui %eq3A_54 : vector<512x8xi1> to vector<512x8xi32>
      %convert_element_type3A_56 = arith.sitofp %convert_element_type3A_55 : vector<512x8xi32> to vector<512x8xf32>
      %add3A_57 = arith.addf %convert_element_type3A_52, %convert_element_type3A_56 : vector<512x8xf32>
      %get3A_58 = arith.constant 0 : index
      %get3A_59 = arith.constant 0 : index
      %get3A_60 = vector.load %arg14[%get3A_58, %get3A_59] : memref<512x512xbf16, #tpu.memory_space<vmem>>, vector<512x512xbf16>
      %convert_element_type3A_61 = arith.truncf %add3A_57 : vector<512x8xf32> to vector<512x8xbf16>
      %dot_general3A_62 = arith.constant dense<0.000000e+00> : vector<512x8xf32>
      %dot_general3A_63 = tpu.matmul %get3A_60, %convert_element_type3A_61, %dot_general3A_62 {dimension_numbers = #tpu.dot_dimension_numbers<[1], [0], [0], [1], [0, 0, 1, 1], [], []>, transpose_lhs_hint = false} : vector<512x512xbf16>, vector<512x8xbf16>, vector<512x8xf32> -> vector<512x8xf32>
      %get3A_64 = arith.constant 0 : index
      %get3A_65 = arith.constant 0 : index
      %get3A_66 = vector.load %arg12[%get3A_64, %get3A_65] : memref<1x8xf32, #tpu.memory_space<vmem>>, vector<1x8xf32>
      %add3A_67 = vector.broadcast %get3A_66 : vector<1x8xf32> to vector<512x8xf32>
      %add3A_68 = arith.addf %add3A_67, %dot_general3A_63 : vector<512x8xf32>
      %mul3A = arith.mulf %convert_element_type3A_52, %add3A_68 : vector<512x8xf32>
      %reduce_sum3A = arith.constant dense<0.000000e+00> : vector<512xf32>
      %reduce_sum3A_69 = vector.multi_reduction <add>, %mul3A, %reduce_sum3A [1] : vector<512x8xf32> to vector<512xf32>
      %broadcast_in_dim3A_70 = vector.shape_cast %reduce_sum3A_69 : vector<512xf32> to vector<512x1xf32>
      %add3A_71 = vector.broadcast %get3A_66 : vector<1x8xf32> to vector<512x8xf32>
      %add3A_72 = arith.addf %add3A_71, %dot_general3A_63 : vector<512x8xf32>
      %add3A_73 = arith.addf %add3A_72, %convert_element_type3A_52 : vector<512x8xf32>
      %mul3A_74 = arith.mulf %convert_element_type3A_56, %add3A_73 : vector<512x8xf32>
      %reduce_sum3A_75 = arith.constant dense<0.000000e+00> : vector<512xf32>
      %reduce_sum3A_76 = vector.multi_reduction <add>, %mul3A_74, %reduce_sum3A_75 [1] : vector<512x8xf32> to vector<512xf32>
      %broadcast_in_dim3A_77 = vector.shape_cast %reduce_sum3A_76 : vector<512xf32> to vector<512x1xf32>
      %reduce_sum3A_78 = arith.constant dense<0.000000e+00> : vector<8xf32>
      %reduce_sum3A_79 = vector.multi_reduction <add>, %add3A_57, %reduce_sum3A_78 [0] : vector<512x8xf32> to vector<8xf32>
      %broadcast_in_dim3A_80 = vector.shape_cast %reduce_sum3A_79 : vector<8xf32> to vector<1x8xf32>
      %add3A_81 = arith.addf %get3A_66, %broadcast_in_dim3A_80 : vector<1x8xf32>
      %swap3A_82 = arith.constant 0 : index
      %swap3A_83 = arith.constant 0 : index
      %swap3A_84 = vector.load %arg12[%swap3A_82, %swap3A_83] : memref<1x8xf32, #tpu.memory_space<vmem>>, vector<1x8xf32>
      tpu.vector_store %arg12[%swap3A_82, %swap3A_83], %add3A_81 {strides = array<i32>} : memref<1x8xf32, #tpu.memory_space<vmem>>, vector<1x8xf32>,
      %get3A_85 = arith.constant 0 : index
      %get3A_86 = arith.constant 0 : index
      %get3A_87 = vector.load %arg13[%get3A_85, %get3A_86] : memref<1x8xf32, #tpu.memory_space<vmem>>, vector<1x8xf32>
      %mul3A_88 = vector.broadcast %div3A_45 : vector<512x1xf32> to vector<512x8xf32>
      %mul3A_89 = arith.mulf %convert_element_type3A_52, %mul3A_88 : vector<512x8xf32>
      %mul3A_90 = vector.broadcast %sub3A_48 : vector<512x1xf32> to vector<512x8xf32>
      %mul3A_91 = arith.mulf %convert_element_type3A_56, %mul3A_90 : vector<512x8xf32>
      %add3A_92 = arith.addf %mul3A_89, %mul3A_91 : vector<512x8xf32>
      %reduce_sum3A_93 = arith.constant dense<0.000000e+00> : vector<8xf32>
      %reduce_sum3A_94 = vector.multi_reduction <add>, %add3A_92, %reduce_sum3A_93 [0] : vector<512x8xf32> to vector<8xf32>
      %broadcast_in_dim3A_95 = vector.shape_cast %reduce_sum3A_94 : vector<8xf32> to vector<1x8xf32>
      %add3A_96 = arith.addf %get3A_87, %broadcast_in_dim3A_95 : vector<1x8xf32>
      %swap3A_97 = arith.constant 0 : index
      %swap3A_98 = arith.constant 0 : index
      %swap3A_99 = vector.load %arg13[%swap3A_97, %swap3A_98] : memref<1x8xf32, #tpu.memory_space<vmem>>, vector<1x8xf32>
      tpu.vector_store %arg13[%swap3A_97, %swap3A_98], %add3A_96 {strides = array<i32>} : memref<1x8xf32, #tpu.memory_space<vmem>>, vector<1x8xf32>,
      %mul3A_100 = arith.constant 4096 : i32
      %mul3A_101 = vector.broadcast %mul3A_100 : i32 to vector<512x1xi32>
      %mul3A_102 = arith.muli %broadcast_in_dim3A_32, %mul3A_101 : vector<512x1xi32>
      %convert_element_type3A_103 = arith.fptosi %broadcast_in_dim3A_70 : vector<512x1xf32> to vector<512x1xi32>
      %add3A_104 = arith.addi %mul3A_102, %convert_element_type3A_103 : vector<512x1xi32>
      %swap3A_105 = arith.constant 0 : index
      %swap3A_106 = arith.constant 0 : index
      %swap3A_107 = vector.load %arg6[%swap3A_105, %swap3A_106] : memref<512x1xi32, #tpu.memory_space<vmem>>, vector<512x1xi32>
      tpu.vector_store %arg6[%swap3A_105, %swap3A_106], %add3A_104 {strides = array<i32>} : memref<512x1xi32, #tpu.memory_space<vmem>>, vector<512x1xi32>,
      %mul3A_108 = arith.constant 4096 : i32
      %mul3A_109 = vector.broadcast %mul3A_108 : i32 to vector<512x1xi32>
      %mul3A_110 = arith.muli %broadcast_in_dim3A_40, %mul3A_109 : vector<512x1xi32>
      %convert_element_type3A_111 = arith.fptosi %broadcast_in_dim3A_77 : vector<512x1xf32> to vector<512x1xi32>
      %add3A_112 = arith.addi %mul3A_110, %convert_element_type3A_111 : vector<512x1xi32>
      %swap3A_113 = arith.constant 0 : index
      %swap3A_114 = arith.constant 0 : index
      %swap3A_115 = vector.load %arg7[%swap3A_113, %swap3A_114] : memref<512x1xi32, #tpu.memory_space<vmem>>, vector<512x1xi32>
      tpu.vector_store %arg7[%swap3A_113, %swap3A_114], %add3A_112 {strides = array<i32>} : memref<512x1xi32, #tpu.memory_space<vmem>>, vector<512x1xi32>,
      %swap3A_116 = arith.constant 0 : index
      %swap3A_117 = arith.constant 0 : index
      %swap3A_118 = vector.load %arg4[%swap3A_116, %swap3A_117] : memref<512x1xf32, #tpu.memory_space<vmem>>, vector<512x1xf32>
      tpu.vector_store %arg4[%swap3A_116, %swap3A_117], %div3A_45 {strides = array<i32>} : memref<512x1xf32, #tpu.memory_space<vmem>>, vector<512x1xf32>,
      %swap3A_119 = arith.constant 0 : index
      %swap3A_120 = arith.constant 0 : index
      %swap3A_121 = vector.load %arg5[%swap3A_119, %swap3A_120] : memref<512x1xf32, #tpu.memory_space<vmem>>, vector<512x1xf32>
      tpu.vector_store %arg5[%swap3A_119, %swap3A_120], %sub3A_48 {strides = array<i32>} : memref<512x1xf32, #tpu.memory_space<vmem>>, vector<512x1xf32>,
    } else {
    }
    %eq3A_6 = arith.constant 8 : i32
    %eq3A_7 = arith.cmpi eq, %arg0, %eq3A_6 : i32
    %convert_element_type3A_8 = arith.extui %eq3A_7 : i1 to i32
    %cond3A_9 = arith.constant 0 : i32
    %cond3A_10 = arith.cmpi ne, %convert_element_type3A_8, %cond3A_9 : i32
    scf.if %cond3A_10 {
      %get3A = arith.constant 0 : index
      %get3A_11 = arith.constant 0 : index
      %get3A_12 = vector.load %arg12[%get3A, %get3A_11] : memref<1x8xf32, #tpu.memory_space<vmem>>, vector<1x8xf32>
      %get3A_13 = arith.constant 0 : index
      %get3A_14 = arith.constant 0 : index
      %get3A_15 = vector.load %arg13[%get3A_13, %get3A_14] : memref<1x8xf32, #tpu.memory_space<vmem>>, vector<1x8xf32>
      %div3A = arith.constant 4.096000e+03 : f32
      %div3A_16 = vector.broadcast %div3A : f32 to vector<1x8xf32>
      %div3A_17 = arith.divf %get3A_15, %div3A_16 : vector<1x8xf32>
      %log3A = arith.constant 1.250000e-01 : f32
      %log3A_18 = math.log %log3A : f32
      %log3A_19 = math.log %div3A_17 : vector<1x8xf32>
      %sub3A = vector.broadcast %log3A_18 : f32 to vector<1x8xf32>
      %sub3A_20 = arith.subf %sub3A, %log3A_19 : vector<1x8xf32>
      %mul3A = arith.constant 1.250000e-01 : f32
      %mul3A_21 = vector.broadcast %mul3A : f32 to vector<1x8xf32>
      %mul3A_22 = arith.mulf %mul3A_21, %sub3A_20 : vector<1x8xf32>
      %reduce_sum3A = arith.constant dense<0.000000e+00> : vector<1xf32>
      %reduce_sum3A_23 = vector.multi_reduction <add>, %mul3A_22, %reduce_sum3A [1] : vector<1x8xf32> to vector<1xf32>
      %broadcast_in_dim3A = vector.shape_cast %reduce_sum3A_23 : vector<1xf32> to vector<1x1xf32>
      %swap3A = arith.constant 0 : index
      %swap3A_24 = arith.constant 0 : index
      %swap3A_25 = vector.load %arg11[%swap3A, %swap3A_24] : memref<1x1xf32, #tpu.memory_space<vmem>>, vector<1x1xf32>
      tpu.vector_store %arg11[%swap3A, %swap3A_24], %broadcast_in_dim3A {strides = array<i32>} : memref<1x1xf32, #tpu.memory_space<vmem>>, vector<1x1xf32>,
      %add3A = arith.constant 5.110000e+02 : f32
      %add3A_26 = vector.broadcast %add3A : f32 to vector<1x8xf32>
      %add3A_27 = arith.addf %get3A_12, %add3A_26 : vector<1x8xf32>
      %mul3A_28 = arith.constant 0.001953125 : f32
      %mul3A_29 = vector.broadcast %mul3A_28 : f32 to vector<1x8xf32>
      %mul3A_30 = arith.mulf %add3A_27, %mul3A_29 : vector<1x8xf32>
      %floor3A = math.floor %mul3A_30 : vector<1x8xf32>
      %iota3A = tpu.iota {dimensions = array<i32: 0>} : vector<8x8xi32>
      %iota3A_31 = tpu.iota {dimensions = array<i32: 1>} : vector<8x8xi32>
      %le3A = arith.cmpi sle, %iota3A, %iota3A_31 : vector<8x8xi32>
      %convert_element_type3A_32 = arith.extui %le3A : vector<8x8xi1> to vector<8x8xi32>
      %convert_element_type3A_33 = arith.sitofp %convert_element_type3A_32 : vector<8x8xi32> to vector<8x8xf32>
      %dot_general3A = arith.constant dense<0.000000e+00> : vector<1x8xf32>
      %dot_general3A_34 = tpu.matmul %floor3A, %convert_element_type3A_33, %dot_general3A {dimension_numbers = #tpu.dot_dimension_numbers<[1], [0], [0], [1], [0, 0, 1, 1], [], []>, transpose_lhs_hint = false} : vector<1x8xf32>, vector<8x8xf32>, vector<1x8xf32> -> vector<1x8xf32>
      %iota3A_35 = tpu.iota {dimensions = array<i32: 1>} : vector<1x24xi32>
      %convert_element_type3A_36 = arith.sitofp %iota3A_35 : vector<1x24xi32> to vector<1x24xf32>
      %broadcast_in_dim3A_37 = arith.constant 0.000000e+00 : f32
      %broadcast_in_dim3A_38 = vector.broadcast %broadcast_in_dim3A_37 : f32 to vector<1x24xf32>
      %broadcast_in_dim3A_39 = arith.constant 0.000000e+00 : f32
      %broadcast_in_dim3A_40 = vector.broadcast %broadcast_in_dim3A_39 : f32 to vector<1x24xf32>
      %slice3A = vector.extract_strided_slice %dot_general3A_34 {offsets = [0, 0], sizes = [1, 1], strides = [1, 1]} : vector<1x8xf32> to vector<1x1xf32>
      %ge3A = vector.broadcast %slice3A : vector<1x1xf32> to vector<1x24xf32>
      %ge3A_41 = arith.cmpf oge, %convert_element_type3A_36, %ge3A : vector<1x24xf32>
      %convert_element_type3A_42 = arith.extui %ge3A_41 : vector<1x24xi1> to vector<1x24xi32>
      %convert_element_type3A_43 = arith.sitofp %convert_element_type3A_42 : vector<1x24xi32> to vector<1x24xf32>
      %add3A_44 = arith.addf %broadcast_in_dim3A_38, %convert_element_type3A_43 : vector<1x24xf32>
      %slice3A_45 = vector.extract_strided_slice %dot_general3A_34 {offsets = [0, 1], sizes = [1, 1], strides = [1, 1]} : vector<1x8xf32> to vector<1x1xf32>
      %ge3A_46 = vector.broadcast %slice3A_45 : vector<1x1xf32> to vector<1x24xf32>
      %ge3A_47 = arith.cmpf oge, %convert_element_type3A_36, %ge3A_46 : vector<1x24xf32>
      %convert_element_type3A_48 = arith.extui %ge3A_47 : vector<1x24xi1> to vector<1x24xi32>
      %convert_element_type3A_49 = arith.sitofp %convert_element_type3A_48 : vector<1x24xi32> to vector<1x24xf32>
      %add3A_50 = arith.addf %add3A_44, %convert_element_type3A_49 : vector<1x24xf32>
      %slice3A_51 = vector.extract_strided_slice %dot_general3A_34 {offsets = [0, 2], sizes = [1, 1], strides = [1, 1]} : vector<1x8xf32> to vector<1x1xf32>
      %ge3A_52 = vector.broadcast %slice3A_51 : vector<1x1xf32> to vector<1x24xf32>
      %ge3A_53 = arith.cmpf oge, %convert_element_type3A_36, %ge3A_52 : vector<1x24xf32>
      %convert_element_type3A_54 = arith.extui %ge3A_53 : vector<1x24xi1> to vector<1x24xi32>
      %convert_element_type3A_55 = arith.sitofp %convert_element_type3A_54 : vector<1x24xi32> to vector<1x24xf32>
      %add3A_56 = arith.addf %add3A_50, %convert_element_type3A_55 : vector<1x24xf32>
      %slice3A_57 = vector.extract_strided_slice %dot_general3A_34 {offsets = [0, 3], sizes = [1, 1], strides = [1, 1]} : vector<1x8xf32> to vector<1x1xf32>
      %ge3A_58 = vector.broadcast %slice3A_57 : vector<1x1xf32> to vector<1x24xf32>
      %ge3A_59 = arith.cmpf oge, %convert_element_type3A_36, %ge3A_58 : vector<1x24xf32>
      %convert_element_type3A_60 = arith.extui %ge3A_59 : vector<1x24xi1> to vector<1x24xi32>
      %convert_element_type3A_61 = arith.sitofp %convert_element_type3A_60 : vector<1x24xi32> to vector<1x24xf32>
      %add3A_62 = arith.addf %add3A_56, %convert_element_type3A_61 : vector<1x24xf32>
      %slice3A_63 = vector.extract_strided_slice %dot_general3A_34 {offsets = [0, 4], sizes = [1, 1], strides = [1, 1]} : vector<1x8xf32> to vector<1x1xf32>
      %ge3A_64 = vector.broadcast %slice3A_63 : vector<1x1xf32> to vector<1x24xf32>
      %ge3A_65 = arith.cmpf oge, %convert_element_type3A_36, %ge3A_64 : vector<1x24xf32>
      %convert_element_type3A_66 = arith.extui %ge3A_65 : vector<1x24xi1> to vector<1x24xi32>
      %convert_element_type3A_67 = arith.sitofp %convert_element_type3A_66 : vector<1x24xi32> to vector<1x24xf32>
      %add3A_68 = arith.addf %add3A_62, %convert_element_type3A_67 : vector<1x24xf32>
      %slice3A_69 = vector.extract_strided_slice %dot_general3A_34 {offsets = [0, 5], sizes = [1, 1], strides = [1, 1]} : vector<1x8xf32> to vector<1x1xf32>
      %ge3A_70 = vector.broadcast %slice3A_69 : vector<1x1xf32> to vector<1x24xf32>
      %ge3A_71 = arith.cmpf oge, %convert_element_type3A_36, %ge3A_70 : vector<1x24xf32>
      %convert_element_type3A_72 = arith.extui %ge3A_71 : vector<1x24xi1> to vector<1x24xi32>
      %convert_element_type3A_73 = arith.sitofp %convert_element_type3A_72 : vector<1x24xi32> to vector<1x24xf32>
      %add3A_74 = arith.addf %add3A_68, %convert_element_type3A_73 : vector<1x24xf32>
      %slice3A_75 = vector.extract_strided_slice %dot_general3A_34 {offsets = [0, 6], sizes = [1, 1], strides = [1, 1]} : vector<1x8xf32> to vector<1x1xf32>
      %ge3A_76 = vector.broadcast %slice3A_75 : vector<1x1xf32> to vector<1x24xf32>
      %ge3A_77 = arith.cmpf oge, %convert_element_type3A_36, %ge3A_76 : vector<1x24xf32>
      %convert_element_type3A_78 = arith.extui %ge3A_77 : vector<1x24xi1> to vector<1x24xi32>
      %convert_element_type3A_79 = arith.sitofp %convert_element_type3A_78 : vector<1x24xi32> to vector<1x24xf32>
      %add3A_80 = arith.addf %add3A_74, %convert_element_type3A_79 : vector<1x24xf32>
      %slice3A_81 = vector.extract_strided_slice %dot_general3A_34 {offsets = [0, 7], sizes = [1, 1], strides = [1, 1]} : vector<1x8xf32> to vector<1x1xf32>
      %ge3A_82 = vector.broadcast %slice3A_81 : vector<1x1xf32> to vector<1x24xf32>
      %ge3A_83 = arith.cmpf oge, %convert_element_type3A_36, %ge3A_82 : vector<1x24xf32>
      %convert_element_type3A_84 = arith.extui %ge3A_83 : vector<1x24xi1> to vector<1x24xi32>
      %convert_element_type3A_85 = arith.sitofp %convert_element_type3A_84 : vector<1x24xi32> to vector<1x24xf32>
      %add3A_86 = arith.addf %add3A_80, %convert_element_type3A_85 : vector<1x24xf32>
      %slice3A_87 = vector.extract_strided_slice %dot_general3A_34 {offsets = [0, 0], sizes = [1, 1], strides = [1, 1]} : vector<1x8xf32> to vector<1x1xf32>
      %slice3A_88 = vector.extract_strided_slice %floor3A {offsets = [0, 0], sizes = [1, 1], strides = [1, 1]} : vector<1x8xf32> to vector<1x1xf32>
      %sub3A_89 = arith.subf %slice3A_87, %slice3A_88 : vector<1x1xf32>
      %eq3A_90 = arith.constant 0.000000e+00 : f32
      %eq3A_91 = vector.broadcast %eq3A_90 : f32 to vector<1x24xf32>
      %eq3A_92 = arith.cmpf oeq, %add3A_86, %eq3A_91 : vector<1x24xf32>
      %convert_element_type3A_93 = arith.extui %eq3A_92 : vector<1x24xi1> to vector<1x24xi32>
      %convert_element_type3A_94 = arith.sitofp %convert_element_type3A_93 : vector<1x24xi32> to vector<1x24xf32>
      %mul3A_95 = vector.broadcast %sub3A_89 : vector<1x1xf32> to vector<1x24xf32>
      %mul3A_96 = arith.mulf %convert_element_type3A_94, %mul3A_95 : vector<1x24xf32>
      %add3A_97 = arith.addf %broadcast_in_dim3A_40, %mul3A_96 : vector<1x24xf32>
      %slice3A_98 = vector.extract_strided_slice %dot_general3A_34 {offsets = [0, 1], sizes = [1, 1], strides = [1, 1]} : vector<1x8xf32> to vector<1x1xf32>
      %slice3A_99 = vector.extract_strided_slice %floor3A {offsets = [0, 1], sizes = [1, 1], strides = [1, 1]} : vector<1x8xf32> to vector<1x1xf32>
      %sub3A_100 = arith.subf %slice3A_98, %slice3A_99 : vector<1x1xf32>
      %eq3A_101 = arith.constant 1.000000e+00 : f32
      %eq3A_102 = vector.broadcast %eq3A_101 : f32 to vector<1x24xf32>
      %eq3A_103 = arith.cmpf oeq, %add3A_86, %eq3A_102 : vector<1x24xf32>
      %convert_element_type3A_104 = arith.extui %eq3A_103 : vector<1x24xi1> to vector<1x24xi32>
      %convert_element_type3A_105 = arith.sitofp %convert_element_type3A_104 : vector<1x24xi32> to vector<1x24xf32>
      %mul3A_106 = vector.broadcast %sub3A_100 : vector<1x1xf32> to vector<1x24xf32>
      %mul3A_107 = arith.mulf %convert_element_type3A_105, %mul3A_106 : vector<1x24xf32>
      %add3A_108 = arith.addf %add3A_97, %mul3A_107 : vector<1x24xf32>
      %slice3A_109 = vector.extract_strided_slice %dot_general3A_34 {offsets = [0, 2], sizes = [1, 1], strides = [1, 1]} : vector<1x8xf32> to vector<1x1xf32>
      %slice3A_110 = vector.extract_strided_slice %floor3A {offsets = [0, 2], sizes = [1, 1], strides = [1, 1]} : vector<1x8xf32> to vector<1x1xf32>
      %sub3A_111 = arith.subf %slice3A_109, %slice3A_110 : vector<1x1xf32>
      %eq3A_112 = arith.constant 2.000000e+00 : f32
      %eq3A_113 = vector.broadcast %eq3A_112 : f32 to vector<1x24xf32>
      %eq3A_114 = arith.cmpf oeq, %add3A_86, %eq3A_113 : vector<1x24xf32>
      %convert_element_type3A_115 = arith.extui %eq3A_114 : vector<1x24xi1> to vector<1x24xi32>
      %convert_element_type3A_116 = arith.sitofp %convert_element_type3A_115 : vector<1x24xi32> to vector<1x24xf32>
      %mul3A_117 = vector.broadcast %sub3A_111 : vector<1x1xf32> to vector<1x24xf32>
      %mul3A_118 = arith.mulf %convert_element_type3A_116, %mul3A_117 : vector<1x24xf32>
      %add3A_119 = arith.addf %add3A_108, %mul3A_118 : vector<1x24xf32>
      %slice3A_120 = vector.extract_strided_slice %dot_general3A_34 {offsets = [0, 3], sizes = [1, 1], strides = [1, 1]} : vector<1x8xf32> to vector<1x1xf32>
      %slice3A_121 = vector.extract_strided_slice %floor3A {offsets = [0, 3], sizes = [1, 1], strides = [1, 1]} : vector<1x8xf32> to vector<1x1xf32>
      %sub3A_122 = arith.subf %slice3A_120, %slice3A_121 : vector<1x1xf32>
      %eq3A_123 = arith.constant 3.000000e+00 : f32
      %eq3A_124 = vector.broadcast %eq3A_123 : f32 to vector<1x24xf32>
      %eq3A_125 = arith.cmpf oeq, %add3A_86, %eq3A_124 : vector<1x24xf32>
      %convert_element_type3A_126 = arith.extui %eq3A_125 : vector<1x24xi1> to vector<1x24xi32>
      %convert_element_type3A_127 = arith.sitofp %convert_element_type3A_126 : vector<1x24xi32> to vector<1x24xf32>
      %mul3A_128 = vector.broadcast %sub3A_122 : vector<1x1xf32> to vector<1x24xf32>
      %mul3A_129 = arith.mulf %convert_element_type3A_127, %mul3A_128 : vector<1x24xf32>
      %add3A_130 = arith.addf %add3A_119, %mul3A_129 : vector<1x24xf32>
      %slice3A_131 = vector.extract_strided_slice %dot_general3A_34 {offsets = [0, 4], sizes = [1, 1], strides = [1, 1]} : vector<1x8xf32> to vector<1x1xf32>
      %slice3A_132 = vector.extract_strided_slice %floor3A {offsets = [0, 4], sizes = [1, 1], strides = [1, 1]} : vector<1x8xf32> to vector<1x1xf32>
      %sub3A_133 = arith.subf %slice3A_131, %slice3A_132 : vector<1x1xf32>
      %eq3A_134 = arith.constant 4.000000e+00 : f32
      %eq3A_135 = vector.broadcast %eq3A_134 : f32 to vector<1x24xf32>
      %eq3A_136 = arith.cmpf oeq, %add3A_86, %eq3A_135 : vector<1x24xf32>
      %convert_element_type3A_137 = arith.extui %eq3A_136 : vector<1x24xi1> to vector<1x24xi32>
      %convert_element_type3A_138 = arith.sitofp %convert_element_type3A_137 : vector<1x24xi32> to vector<1x24xf32>
      %mul3A_139 = vector.broadcast %sub3A_133 : vector<1x1xf32> to vector<1x24xf32>
      %mul3A_140 = arith.mulf %convert_element_type3A_138, %mul3A_139 : vector<1x24xf32>
      %add3A_141 = arith.addf %add3A_130, %mul3A_140 : vector<1x24xf32>
      %slice3A_142 = vector.extract_strided_slice %dot_general3A_34 {offsets = [0, 5], sizes = [1, 1], strides = [1, 1]} : vector<1x8xf32> to vector<1x1xf32>
      %slice3A_143 = vector.extract_strided_slice %floor3A {offsets = [0, 5], sizes = [1, 1], strides = [1, 1]} : vector<1x8xf32> to vector<1x1xf32>
      %sub3A_144 = arith.subf %slice3A_142, %slice3A_143 : vector<1x1xf32>
      %eq3A_145 = arith.constant 5.000000e+00 : f32
      %eq3A_146 = vector.broadcast %eq3A_145 : f32 to vector<1x24xf32>
      %eq3A_147 = arith.cmpf oeq, %add3A_86, %eq3A_146 : vector<1x24xf32>
      %convert_element_type3A_148 = arith.extui %eq3A_147 : vector<1x24xi1> to vector<1x24xi32>
      %convert_element_type3A_149 = arith.sitofp %convert_element_type3A_148 : vector<1x24xi32> to vector<1x24xf32>
      %mul3A_150 = vector.broadcast %sub3A_144 : vector<1x1xf32> to vector<1x24xf32>
      %mul3A_151 = arith.mulf %convert_element_type3A_149, %mul3A_150 : vector<1x24xf32>
      %add3A_152 = arith.addf %add3A_141, %mul3A_151 : vector<1x24xf32>
      %slice3A_153 = vector.extract_strided_slice %dot_general3A_34 {offsets = [0, 6], sizes = [1, 1], strides = [1, 1]} : vector<1x8xf32> to vector<1x1xf32>
      %slice3A_154 = vector.extract_strided_slice %floor3A {offsets = [0, 6], sizes = [1, 1], strides = [1, 1]} : vector<1x8xf32> to vector<1x1xf32>
      %sub3A_155 = arith.subf %slice3A_153, %slice3A_154 : vector<1x1xf32>
      %eq3A_156 = arith.constant 6.000000e+00 : f32
      %eq3A_157 = vector.broadcast %eq3A_156 : f32 to vector<1x24xf32>
      %eq3A_158 = arith.cmpf oeq, %add3A_86, %eq3A_157 : vector<1x24xf32>
      %convert_element_type3A_159 = arith.extui %eq3A_158 : vector<1x24xi1> to vector<1x24xi32>
      %convert_element_type3A_160 = arith.sitofp %convert_element_type3A_159 : vector<1x24xi32> to vector<1x24xf32>
      %mul3A_161 = vector.broadcast %sub3A_155 : vector<1x1xf32> to vector<1x24xf32>
      %mul3A_162 = arith.mulf %convert_element_type3A_160, %mul3A_161 : vector<1x24xf32>
      %add3A_163 = arith.addf %add3A_152, %mul3A_162 : vector<1x24xf32>
      %slice3A_164 = vector.extract_strided_slice %dot_general3A_34 {offsets = [0, 7], sizes = [1, 1], strides = [1, 1]} : vector<1x8xf32> to vector<1x1xf32>
      %slice3A_165 = vector.extract_strided_slice %floor3A {offsets = [0, 7], sizes = [1, 1], strides = [1, 1]} : vector<1x8xf32> to vector<1x1xf32>
      %sub3A_166 = arith.subf %slice3A_164, %slice3A_165 : vector<1x1xf32>
      %eq3A_167 = arith.constant 7.000000e+00 : f32
      %eq3A_168 = vector.broadcast %eq3A_167 : f32 to vector<1x24xf32>
      %eq3A_169 = arith.cmpf oeq, %add3A_86, %eq3A_168 : vector<1x24xf32>
      %convert_element_type3A_170 = arith.extui %eq3A_169 : vector<1x24xi1> to vector<1x24xi32>
      %convert_element_type3A_171 = arith.sitofp %convert_element_type3A_170 : vector<1x24xi32> to vector<1x24xf32>
      %mul3A_172 = vector.broadcast %sub3A_166 : vector<1x1xf32> to vector<1x24xf32>
      %mul3A_173 = arith.mulf %convert_element_type3A_171, %mul3A_172 : vector<1x24xf32>
      %add3A_174 = arith.addf %add3A_163, %mul3A_173 : vector<1x24xf32>
      %slice3A_175 = vector.extract_strided_slice %dot_general3A_34 {offsets = [0, 7], sizes = [1, 1], strides = [1, 1]} : vector<1x8xf32> to vector<1x1xf32>
      %lt3A_176 = vector.broadcast %slice3A_175 : vector<1x1xf32> to vector<1x24xf32>
      %lt3A_177 = arith.cmpf olt, %convert_element_type3A_36, %lt3A_176 : vector<1x24xf32>
      %sub3A_178 = arith.subf %convert_element_type3A_36, %add3A_174 : vector<1x24xf32>
      %mul3A_179 = arith.constant 8.000000e+00 : f32
      %mul3A_180 = vector.broadcast %mul3A_179 : f32 to vector<1x24xf32>
      %mul3A_181 = arith.mulf %add3A_86, %mul3A_180 : vector<1x24xf32>
      %add3A_182 = arith.addf %mul3A_181, %sub3A_178 : vector<1x24xf32>
      %jit3A = arith.constant 6.400000e+01 : f32
      %broadcast_in_dim3A_183 = vector.broadcast %jit3A : f32 to vector<1x24xf32>
      %select_n3A = arith.select %lt3A_177, %add3A_182, %broadcast_in_dim3A_183 : vector<1x24xi1>, vector<1x24xf32>
      %convert_element_type3A_184 = arith.fptosi %select_n3A : vector<1x24xf32> to vector<1x24xi32>
      %min3A = arith.constant 7.000000e+00 : f32
      %min3A_185 = vector.broadcast %min3A : f32 to vector<1x24xf32>
      %min3A_186 = arith.minimumf %add3A_86, %min3A_185 : vector<1x24xf32>
      %convert_element_type3A_187 = arith.fptosi %min3A_186 : vector<1x24xf32> to vector<1x24xi32>
      %swap3A_188 = arith.constant 0 : index
      %swap3A_189 = arith.constant 0 : index
      %swap3A_190 = vector.load %arg8[%swap3A_188, %swap3A_189] : memref<1x24xi32, #tpu.memory_space<vmem>>, vector<1x24xi32>
      tpu.vector_store %arg8[%swap3A_188, %swap3A_189], %convert_element_type3A_184 {strides = array<i32>} : memref<1x24xi32, #tpu.memory_space<vmem>>, vector<1x24xi32>,
      %swap3A_191 = arith.constant 0 : index
      %swap3A_192 = arith.constant 0 : index
      %swap3A_193 = vector.load %arg9[%swap3A_191, %swap3A_192] : memref<1x24xi32, #tpu.memory_space<vmem>>, vector<1x24xi32>
      tpu.vector_store %arg9[%swap3A_191, %swap3A_192], %convert_element_type3A_187 {strides = array<i32>} : memref<1x24xi32, #tpu.memory_space<vmem>>, vector<1x24xi32>,
      %convert_element_type3A_194 = arith.fptosi %slice3A_175 : vector<1x1xf32> to vector<1x1xi32>
      %swap3A_195 = arith.constant 0 : index
      %swap3A_196 = arith.constant 0 : index
      %swap3A_197 = vector.load %arg10[%swap3A_195, %swap3A_196] : memref<1x1xi32, #tpu.memory_space<vmem>>, vector<1x1xi32>
      tpu.vector_store %arg10[%swap3A_195, %swap3A_196], %convert_element_type3A_194 {strides = array<i32>} : memref<1x1xi32, #tpu.memory_space<vmem>>, vector<1x1xi32>,
    } else {
    }
    return
  }
  func.func @transform_0(%arg0: i32) -> (i32, i32) {
    %min3A = arith.constant 7 : i32
    %min3A_0 = arith.minsi %arg0, %min3A : i32
    %c0_i32 = arith.constant 0 : i32
    %c0_i32_1 = arith.constant 0 : i32
    return %min3A_0, %c0_i32 : i32, i32
  }
  func.func @transform_1(%arg0: i32) -> (i32, i32) {
    %c0_i32 = arith.constant 0 : i32
    %c0_i32_0 = arith.constant 0 : i32
    %c0_i32_1 = arith.constant 0 : i32
    return %c0_i32, %c0_i32_0 : i32, i32
  }
  func.func @transform_2(%arg0: i32) -> (i32, i32) {
    %min3A = arith.constant 7 : i32
    %min3A_0 = arith.minsi %arg0, %min3A : i32
    %c0_i32 = arith.constant 0 : i32
    %c0_i32_1 = arith.constant 0 : i32
    return %min3A_0, %c0_i32 : i32, i32
  }
  func.func @transform_3(%arg0: i32) -> (i32, i32) {
    %min3A = arith.constant 7 : i32
    %min3A_0 = arith.minsi %arg0, %min3A : i32
    %c0_i32 = arith.constant 0 : i32
    %c0_i32_1 = arith.constant 0 : i32
    return %min3A_0, %c0_i32 : i32, i32
  }
  func.func @transform_4(%arg0: i32) -> (i32, i32) {
    %min3A = arith.constant 7 : i32
    %min3A_0 = arith.minsi %arg0, %min3A : i32
    %c0_i32 = arith.constant 0 : i32
    %c0_i32_1 = arith.constant 0 : i32
    return %min3A_0, %c0_i32 : i32, i32
  }
  func.func @transform_5(%arg0: i32) -> (i32, i32) {
    %min3A = arith.constant 7 : i32
    %min3A_0 = arith.minsi %arg0, %min3A : i32
    %c0_i32 = arith.constant 0 : i32
    %c0_i32_1 = arith.constant 0 : i32
    return %min3A_0, %c0_i32 : i32, i32
  }
  func.func @transform_6(%arg0: i32) -> (i32, i32) {
    %min3A = arith.constant 7 : i32
    %min3A_0 = arith.minsi %arg0, %min3A : i32
    %c0_i32 = arith.constant 0 : i32
    %c0_i32_1 = arith.constant 0 : i32
    return %min3A_0, %c0_i32 : i32, i32
  }
  func.func @transform_7(%arg0: i32) -> (i32, i32) {
    %c0_i32 = arith.constant 0 : i32
    %c0_i32_0 = arith.constant 0 : i32
    %c0_i32_1 = arith.constant 0 : i32
    return %c0_i32, %c0_i32_0 : i32, i32
  }
  func.func @transform_8(%arg0: i32) -> (i32, i32) {
    %c0_i32 = arith.constant 0 : i32
    %c0_i32_0 = arith.constant 0 : i32
    %c0_i32_1 = arith.constant 0 : i32
    return %c0_i32, %c0_i32_0 : i32, i32
  }
  func.func @transform_9(%arg0: i32) -> (i32, i32) {
    %c0_i32 = arith.constant 0 : i32
    %c0_i32_0 = arith.constant 0 : i32
    %c0_i32_1 = arith.constant 0 : i32
    return %c0_i32, %c0_i32_0 : i32, i32
  }
  func.func @transform_10(%arg0: i32) -> (i32, i32) {
    %c0_i32 = arith.constant 0 : i32
    %c0_i32_0 = arith.constant 0 : i32
    %c0_i32_1 = arith.constant 0 : i32
    return %c0_i32, %c0_i32_0 : i32, i32
  }
}

</mosaic_0001>

<sc_bundles>
// kernel: kernel.10.cloned.1.call-start
scs
__scs_entry_jumppad:
0x0: {  	(pc) =	sbr.rel $0x88, $3  }
0x1: {  	(tag) =	ssettag $0x0;
	lr =	simm.s32 $0x1  }
0x2: {  	[smem:$0x3F97] =	sst lr;
	_ =	strace $0xD0000000  }
0x3: {  	_ = 	snop  }
0x4: {  	_ = 	snop  }
0x5: {  	_ = 	snop  }
0x6: {  	_ = 	snop  }
0x7: {  	_ = 	snop  }
__scs_overlays_trampoline_lowered:
0x8: {  	[smem:$0x3FA6] =	sst s0  }
0x9: {  	[smem:$0x3FA7] =	sst s1  }
0xa: {  	[smem:$0x3FA8] =	sst s2  }
0xb: {  	[smem:$0x3FA9] =	sst s3  }
0xc: {  	[smem:$0x3FAA] =	sst s4  }
0xd: {  	[smem:$0x3FAB] =	sst s5  }
0xe: {  	[smem:$0x3FAC] =	sst s6  }
0xf: {  	[smem:$0x3FAD] =	sst s7  }
0x10: {  	[smem:$0x3FAE] =	sst s8  }
0x11: {  	[smem:$0x3FAF] =	sst s9;
	s0 =	simm.s32 @!p0 $0x0  }
0x12: {  	s1 =	sld [smem:$0x3F95];
	s0 =	simm.s32 @p0 $0x1  }
0x13: {  	[smem:$0x3FB0] =	sst s0;
	s0 =	simm.s32 @!p1 $0x0  }
0x14: {  	s2 =	sld [smem:$0x3F94];
	s0 =	simm.s32 @p1 $0x1  }
0x15: {  	[smem:$0x3FB1] =	sst s0;
	s0 =	simm.s32 @!p2 $0x0  }
0x16: {  	s3 =	sld [smem:$0x3FDB];
	s0 =	simm.s32 @p2 $0x1  }
0x17: {  	s4 =	simm.s32 $0x1BF5;
	[smem:$0x3FB3] =	sst s0  }
0x18: {  	s0 =	sld [smem:$0x3F96];
	_ =	swait.ge [sflag:s4], $0x0  }
0x19: {  	s7 =	sld [smem:$0x3F97]  }
0x1a: {  	s8 =	sadd.s32 $0xFFFFE003, lr  }
0x1b: {  	s9 =	sadd.s32 $0xFFFFFEF7, lr;
	s5 =	simm.s32 $0xFFFFFFFF;
	p2 =	slt.u32 s8, $0xFFFFF086  }
0x1c: {  	p1 =	slt.u32 s9, $0xF7A;
	s5 =	simm.s32 @!p2 $0x0  }
0x1d: {  	s5 =	simm.s32 @p1 $0x1;
	p0 =	seq.s32 s7, s2  }
0x1e: {  	s7 =	smul.u32 @!p0 $0xF7A, s2;
	p2 =	seq.s32 @!p0 s5, $0x0  }
0x1f: {  	s9 =	smul.u32 $0xF7A, s1;
	s8 =	simm.s32 @!p0 $0x1BF5;
	p2 =	por !p2, p0  }
0x20: {  	[sflag:s8] =	ssyncset.s32 @!p0 $0xFFFFF086;
	s6 =	sadd.s32 @!p0 s3, s7;
	s7 =	simm.s32 @!p0 $0x108  }
0x21: {  	s3 =	sadd.s32 s3, s9;
	s6 =	sadd.s32 @!p0 $0x88, s6;
	s7 =	simm.s32 @p2 $0x1082  }
0x22: {  	[simem:s7], [sflag:s8] =	dma.local @!p0 [hbm:s6], $0xF7A  }
0x23: {  	s9 =	sor.u32 $0xD0000000, s2;
	s6 =	simm.s32 $0x108;
	_ =	swait.ge @!p0 [sflag:s8], $0x0  }
0x24: {  	s3 =	sadd.s32 $0x88, s3;
	s6 =	simm.s32 @!p1 $0x1082;
	[sflag:s4] =	ssyncset.s32 $0xFFFFF086  }
0x25: {  	[simem:s6], [sflag:s4] =	dma.local [hbm:s3], $0xF7A  }
0x26: {  	[smem:$0x3F97] =	sst s1;
	(tag) =	ssettag s2;
	_ =	strace s9  }
0x27: {  	s1 =	sld [smem:$0x3FA7]  }
0x28: {  	s2 =	sld [smem:$0x3FA8]  }
0x29: {  	s4 =	sld [smem:$0x3FAA]  }
0x2a: {  	p0 =	seq.s32 s5, $0x0;
	s5 =	sld [smem:$0x3FAB]  }
0x2b: {  	s6 =	sld [smem:$0x3FAC]  }
0x2c: {  	s7 =	sld [smem:$0x3FAD]  }
0x2d: {  	s3 =	simm.s32 $0x108;
	s8 =	sld [smem:$0x3FAE]  }
0x2e: {  	s3 =	simm.s32 @!p0 $0x1082;
	s9 =	sld [smem:$0x3FAF]  }
0x2f: {  	lr =	sadd.s32 s0, s3;
	s0 =	sld [smem:$0x3FA6]  }
0x30: {  	s3 =	sld [smem:$0x3FA9]  }
0x31: {  	[smem:$0x3FB2] =	sst s10  }
0x32: {  	s10 =	sld [smem:$0x3FB0];
	_ =	sdelay $0x3  }
0x33: {  	p0 =	seq.s32 s10, $0x1;
	s10 =	sld [smem:$0x3FB2];
	_ =	sdelay $0x3  }
0x34: {  	[smem:$0x3FB2] =	sst s10  }
0x35: {  	s10 =	sld [smem:$0x3FB1];
	_ =	sdelay $0x3  }
0x36: {  	p1 =	seq.s32 s10, $0x1;
	s10 =	sld [smem:$0x3FB2];
	_ =	sdelay $0x3  }
0x37: {  	[smem:$0x3FB2] =	sst s10  }
0x38: {  	s10 =	sld [smem:$0x3FB3]  }
0x39: {  	_ = 	snop;
	(pc) =	sbr.ind lr, $3  }
0x3a: {  	_ = 	snop  }
0x3b: {  	_ = 	snop  }
0x3c: {  	p2 =	seq.s32 s10, $0x1;
	s10 =	sld [smem:$0x3FB2]  }
0x3d: {  	_ =	shalt  }
0x3e: {  	_ =	shalt  }
0x3f: {  	_ =	shalt  }
0x40: {  	_ =	shalt  }
0x41: {  	_ =	shalt  }
0x42: {  	_ =	shalt  }
0x43: {  	_ =	shalt  }
0x44: {  	_ =	shalt  }
0x45: {  	_ =	shalt  }
0x46: {  	_ =	shalt  }
0x47: {  	_ =	shalt  }
0x48: {  	_ =	shalt  }
0x49: {  	_ =	shalt  }
0x4a: {  	_ =	shalt  }
0x4b: {  	_ =	shalt  }
0x4c: {  	_ =	shalt  }
0x4d: {  	_ =	shalt  }
0x4e: {  	_ =	shalt  }
0x4f: {  	_ =	shalt  }
0x50: {  	_ =	shalt  }
0x51: {  	_ =	shalt  }
0x52: {  	_ =	shalt  }
0x53: {  	_ =	shalt  }
0x54: {  	_ =	shalt  }
0x55: {  	_ =	shalt  }
0x56: {  	_ =	shalt  }
0x57: {  	_ =	shalt  }
0x58: {  	_ =	shalt  }
0x59: {  	_ =	shalt  }
0x5a: {  	_ =	shalt  }
0x5b: {  	_ =	shalt  }
0x5c: {  	_ =	shalt  }
0x5d: {  	_ =	shalt  }
0x5e: {  	_ =	shalt  }
0x5f: {  	_ =	shalt  }
0x60: {  	_ =	shalt  }
0x61: {  	_ =	shalt  }
0x62: {  	_ =	shalt  }
0x63: {  	_ =	shalt  }
0x64: {  	_ =	shalt  }
0x65: {  	_ =	shalt  }
0x66: {  	_ =	shalt  }
0x67: {  	_ =	shalt  }
0x68: {  	_ =	shalt  }
0x69: {  	_ =	shalt  }
0x6a: {  	_ =	shalt  }
0x6b: {  	_ =	shalt  }
0x6c: {  	_ =	shalt  }
0x6d: {  	_ =	shalt  }
0x6e: {  	_ =	shalt  }
0x6f: {  	_ =	shalt  }
0x70: {  	_ =	shalt  }
0x71: {  	_ =	shalt  }
0x72: {  	_ =	shalt  }
0x73: {  	_ =	shalt  }
0x74: {  	_ =	shalt  }
0x75: {  	_ =	shalt  }
0x76: {  	_ =	shalt  }
0x77: {  	_ =	shalt  }
0x78: {  	_ =	shalt  }
0x79: {  	_ =	shalt  }
0x7a: {  	_ =	shalt  }
0x7b: {  	_ =	shalt  }
0x7c: {  	_ =	shalt  }
0x7d: {  	_ =	shalt  }
0x7e: {  	_ =	shalt  }
0x7f: {  	_ =	shalt  }
0x80: {  	_ =	shalt  }
0x81: {  	_ =	shalt  }
0x82: {  	_ =	shalt  }
0x83: {  	_ =	shalt  }
0x84: {  	_ =	shalt  }
0x85: {  	_ =	shalt  }
0x86: {  	_ =	shalt  }
0x87: {  	_ =	shalt  }
.Lfunc_end0:
.L_simem_size_0:
called_computation.1_lowered:
.L_overlay_start_0:
0x88: {  	s2 =	sld [smem:$0x3FD9]  }
0x89: {  	s3 =	sld [smem:$0x3FFE];
	_ =	sdelay $0x1  }
0x8a: {  	s1 =	srdreg.scid  }
0x8b: {  	s0 =	sand.u32 $0x1, s1  }
0x8c: {  	s14 =	sshll.u32 s0, $0xA;
	s2 =	sadd.s32 s3, s2  }
0x8d: {  	s2 =	sadd.s32 s2, s14  }
0x8e: {  	[smem:$0x3FBE] =	sst s2  }
0x8f: {  	_ = 	snop  }
0x90: {  	s2 =	sld [smem:$0x3FD0];
	_ =	sdelay $0x2  }
0x91: {  	s15 =	simm.s32 $0xA;
	s4 =	simm.s32 $0x10  }
0x92: {  	[smem:s4], [sflag:s15] =	dma.local [hbm:s2], $0x1  }
0x93: {  	_ =	swait.eq [sflag:s15], $0x1  }
0x94: {  	[sflag:s15] =	ssyncset.done $0x0  }
0x95: {  	[sflag:s15] =	ssyncadd.s32 $0xFFFFFFFF  }
0x96: {  	s16 =	sld [smem:$0x10];
	(tm) =	ssettm $0x1  }
0x97: {  	s17 =	sld [smem:$0x3FFB];
	_ =	sdelay $0x3  }
0x98: {  	_ =	strace s17  }
0x99: {  	s3 =	sld [smem:$0x3FFC];
	_ =	sdelay $0x3  }
0x9a: {  	_ =	strace s3  }
0x9b: {  	s3 =	sld [smem:$0x3FFD];
	_ =	sdelay $0x3  }
0x9c: {  	_ =	strace s3  }
0x9d: {  	_ =	strace $0x8FFFFFFF  }
0x9e: {  	s18 =	sld [smem:$0x3FDB];
	_ =	sdelay $0x1  }
0x9f: {  	s19 =	simm.s32 $_scs_section_size  }
0xa0: {  	s5 =	simm.s32 $_size__tile_overlayer_lowered;
	s6 =	simm.s32 $_tile_overlayer_lowered  }
0xa1: {  	s22 =	simm.s32 $0x1BFF;
	s21 =	sshll.u32 s6, $0x1;
	s3 =	sadd.s32 s19, s18  }
0xa2: {  	s7 =	simm.s32 $0x0;
	s20 =	sshll.u32 s5, $0x1;
	s5 =	sadd.s32 s21, s3  }
0xa3: {  	[timem:s7], [sflag:s22] =	dma.local [hbm:s5], s20  }
0xa4: {  	_ =	swait.ge [sflag:s22], s20  }
0xa5: {  	s4 =	ssub.s32 $0x0, s20;
	[sflag:s22] =	ssyncset.done $0x0  }
0xa6: {  	[sflag:s22] =	ssyncadd.s32 s4;
	_ =	sdelay $0x1  }
0xa7: {  	s23 =	simm.s32 $0x1B8B  }
0xa8: {  	_ =	swait.ge [sflag:s23], $0x1  }
0xa9: {  	[sflag:s23] =	ssyncset.done $0x0  }
0xaa: {  	s25 =	simm.s32 $0x1B8E;
	s24 =	sld [smem:$0x3FFE];
	[sflag:s23] =	ssyncadd.s32 $0xFFFFFFFF  }
0xab: {  	s26 =	simm.s32 $execute0_lowered;
	[smem:$0x3FD2] =	sst s25  }
0xac: {  	s5 =	sshll.u32 s26, $0x1;
	_ =	strace $0x80000049;
	[dreg:$0x1] =	wrdreg $0xFFFFFFFF  }
0xad: {  	s28 =	simm.s32 $_size_execute0_lowered;
	s3 =	sadd.s32 s3, s5;
	[dreg:$0x0] =	wrdreg $0x0  }
0xae: {  	s5 =	sshll.u32 s28, $0x1;
	[dreg:$0x2] =	wrdreg s3  }
0xaf: {  	[dreg:$0x3] =	wrdreg s5  }
0xb0: {  	[dreg:$0x4] =	wrdreg $0xC0  }
0xb1: {  	_ =	task [dreg:s7], $0x5FFFF  }
0xb2: {  	[dreg:$0x1] =	wrdreg $0xFFFFFFFF  }
0xb3: {  	[dreg:$0x0] =	wrdreg $0x60  }
0xb4: {  	[dreg:$0x2] =	wrdreg s24  }
0xb5: {  	[dreg:$0x3] =	wrdreg s16  }
0xb6: {  	[dreg:$0x4] =	wrdreg $0x9  }
0xb7: {  	_ =	task.clear_ibuf [dreg:s7], $0x5FFFF;
	_ =	strace $0x90000049  }
0xb8: {  	s29 =	simm.s32 $0x9;
	_ =	strace $0x8000004B  }
0xb9: {  	_ =	swait.ge [sflag:s29], $0x1  }
0xba: {  	[sflag:s29] =	ssyncadd.s32 $0xFFFFFFFF  }
0xbb: {  	_ =	strace $0x9000004B  }
0xbc: {  	_ =	sfence  }
0xbd: {  	s30 =	sld [smem:$0x0];
	_ =	sdelay $0x2  }
0xbe: {  	s31 =	sshll.u32 s1, $0xD;
	s1 =	sshrl.u32 s1, $0x2  }
0xbf: {  	s3 =	sand.u32 $0x4000, s31;
	s1 =	sadd.s32 s1, s30  }
0xc0: {  	s0 =	sor.u32 s3, s0;
	s1 =	sshll.u32 s1, $0x11  }
0xc1: {  	s0 =	sor.u32 s1, s0  }
0xc2: {  	s0 =	sadd.s32 $0x8F2B, s0  }
0xc3: {  	[sflag:s0] =	ssyncadd.remote.s32 $0x1  }
0xc4: {  	_ =	sfence.sel $0xFFFF  }
0xc5: {  	[dreg:$0x0] =	wrdreg $0xFFFFFFFF;
	(pc) =	sbr.abs _section_cstart, $3  }
0xc6: {  	[dreg:$0x1] =	wrdreg $0xFFFFFFFF  }
0xc7: {  	_ =	task.clear_ibuf [dreg:s7], $0x2FFFF;
	_ =	strace $0x9FFFFFFF  }
0xc8: {  	(tm) =	ssettm $0x7FFFFFFF  }
0xc9: {  	_ =	shalt  }
tec
execute0_lowered:
.L_overlay_start_1:
0x0: {  	(tag) =	ssettag $0x1  }
0x1: {  	s2 =	srdreg.scid;
	s1 =	rddreg [dreg:$0x0]  }
0x2: {  	s3 =	rddreg [dreg:$0x1];
	s4 =	sand.u32 $0x1, s2;
	s2 =	simm.s32 $0x0  }
0x3: {  	s8 =	simm.s32 $0x18080;
	[smem:$0x7FF] =	sst s2  }
0x4: {  	s9 =	simm.s32 $0x800;
	_ =	strace $0x8000004A;
	[dreg:$0x8] =	wrdreg s8  }
0x5: {  	s10 =	simm.s32 $0xC00;
	[dreg:$0x9] =	wrdreg s9  }
0x6: {  	s11 =	simm.s32 $0x1400;
	[dreg:$0xa] =	wrdreg s10  }
0x7: {  	s12 =	simm.s32 $0x1800;
	[dreg:$0xb] =	wrdreg s11  }
0x8: {  	s13 =	simm.s32 $0x2000;
	[dreg:$0xc] =	wrdreg s12  }
0x9: {  	s14 =	simm.s32 $0x2400;
	[dreg:$0xd] =	wrdreg s13  }
0xa: {  	s15 =	simm.s32 $0x2C00;
	[dreg:$0xe] =	wrdreg s14  }
0xb: {  	s16 =	simm.s32 $0x3000;
	[dreg:$0xf] =	wrdreg s15  }
0xc: {  	s17 =	simm.s32 $0x3800;
	[dreg:$0x10] =	wrdreg s16  }
0xd: {  	s18 =	simm.s32 $0x3C00;
	[dreg:$0x11] =	wrdreg s17  }
0xe: {  	s19 =	simm.s32 $0x4400;
	[dreg:$0x12] =	wrdreg s18  }
0xf: {  	s20 =	simm.s32 $0x4800;
	[dreg:$0x13] =	wrdreg s19  }
0x10: {  	s21 =	simm.s32 $0x5000;
	[dreg:$0x14] =	wrdreg s20  }
0x11: {  	s22 =	simm.s32 $0x5400;
	[dreg:$0x15] =	wrdreg s21  }
0x12: {  	s23 =	simm.s32 $0x5C00;
	[dreg:$0x16] =	wrdreg s22  }
0x13: {  	s24 =	simm.s32 $0x6000;
	[dreg:$0x17] =	wrdreg s23  }
0x14: {  	s25 =	simm.s32 $0x6800;
	[dreg:$0x18] =	wrdreg s24  }
0x15: {  	s26 =	simm.s32 $0x6C00;
	[dreg:$0x19] =	wrdreg s25  }
0x16: {  	[dreg:$0x1a] =	wrdreg s26;
	s8 =	simm.s32 $0x8C00  }
0x17: {  	s9 =	simm.s32 $0x9000;
	[dreg:$0x1f] =	wrdreg s8  }
0x18: {  	s10 =	simm.s32 $0x9800;
	[smem:$0x7ED] =	sst s9  }
0x19: {  	s11 =	simm.s32 $0x9C00;
	[smem:$0x7EE] =	sst s10  }
0x1a: {  	s12 =	simm.s32 $0xA400;
	[smem:$0x7EF] =	sst s11  }
0x1b: {  	s13 =	simm.s32 $0xA800;
	[smem:$0x7F0] =	sst s12  }
0x1c: {  	s0 =	stileid.u32;
	s14 =	simm.s32 $0xB000;
	[smem:$0x7F1] =	sst s13  }
0x1d: {  	s28 =	simm.s32 $0x17000;
	s15 =	simm.s32 $0xB400;
	[smem:$0x7F2] =	sst s14  }
0x1e: {  	s29 =	simm.s32 $0x17400;
	s16 =	simm.s32 $0xBC00;
	[smem:$0x7F3] =	sst s15  }
0x1f: {  	s30 =	simm.s32 $0x17C00;
	s17 =	simm.s32 $0xC800;
	[smem:$0x7F4] =	sst s16  }
0x20: {  	s31 =	simm.s32 $0x1;
	s18 =	simm.s32 $0xCC00;
	[smem:$0x7F5] =	sst s17  }
0x21: {  	s5 =	sshll.u32 s0, $0x5;
	s19 =	simm.s32 $0xD400;
	[smem:$0x7F6] =	sst s18  }
0x22: {  	s6 =	sshll.u32 s4, $0x4;
	s20 =	simm.s32 $0xD800;
	[smem:$0x7F7] =	sst s19  }
0x23: {  	s4 =	ssub.s32 $0x2, s4;
	s21 =	simm.s32 $0xE000;
	[smem:$0x7F8] =	sst s20  }
0x24: {  	s5 =	sor.u32 s6, s5;
	s23 =	simm.s32 $0xE400;
	[smem:$0x7F9] =	sst s21  }
0x25: {  	s22 =	sshrl.u32 s4, $0x1;
	s24 =	simm.s32 $0xEC00;
	[smem:$0x7FA] =	sst s23  }
0x26: {  	s25 =	simm.s32 $0xF000;
	s26 =	simm.s32 $0xF800;
	[smem:$0x7FB] =	sst s24  }
0x27: {  	s6 =	sadd.s32 s5, s1;
	s5 =	smul.u32 $0x180, s5;
	[smem:$0x7FC] =	sst s25  }
0x28: {  	[smem:$0x7FD] =	sst s26;
	s9 =	simm.s32 $0x10400;
	s10 =	simm.s32 $0x10800  }
0x29: {  	s11 =	simm.s32 $0x11000;
	s12 =	simm.s32 $0x11400;
	s13 =	simm.s32 $0x11C00  }
0x2a: {  	s14 =	simm.s32 $0x12000;
	s15 =	simm.s32 $0x12800;
	s16 =	simm.s32 $0x12C00  }
0x2b: {  	s17 =	simm.s32 $0x13400;
	s18 =	simm.s32 $0x13800;
	s7 =	sadd.s32 $0x23200, s6  }
0x2c: {  	s19 =	simm.s32 $0x14000;
	s6 =	sadd.s32 $0x23400, s6;
	[dreg:$0x3] =	wrdreg s7  }
0x2d: {  	s20 =	simm.s32 $0x14400;
	[dreg:$0x4] =	wrdreg s6;
	s3 =	sadd.s32 s3, s5  }
0x2e: {  	s21 =	simm.s32 $0x14C00;
	s7 =	simm.s32 $0x18000;
	[dreg:$0x5] =	wrdreg s3  }
0x2f: {  	s0 =	sadd.s32 s5, s1;
	s5 =	simm.s32 $0x7800;
	[dreg:$0x7] =	wrdreg s7  }
0x30: {  	s23 =	simm.s32 $0x15800;
	s6 =	sadd.s32 $0x23600, s0;
	[dreg:$0x1c] =	wrdreg s5  }
0x31: {  	s24 =	simm.s32 $0x15C00;
	s0 =	simm.s32 $0x7400;
	[dreg:$0x6] =	wrdreg s6  }
0x32: {  	s25 =	simm.s32 $0x16400;
	s7 =	simm.s32 $0x8400;
	[dreg:$0x1b] =	wrdreg s0  }
0x33: {  	s26 =	simm.s32 $0x16800;
	s6 =	simm.s32 $0x8000;
	[dreg:$0x1e] =	wrdreg s7  }
0x34: {  	v2 =	vlaneseq.u32;
	s3 =	sadd.s32 $0x1A9600, s1;
	s7 =	simm.s32 $0xC000;
	[dreg:$0x1d] =	wrdreg s6  }
0x35: {  	vm0 =	vmmov $0xffff;
	vm1 =	vmmov $0xff;
	v1 =	vshrl.u32 v2, $0x3;
	s6 =	ssub.s32 s4, s22;
	s4 =	sadd.s32 $0x1A9700, s1;
	s22 =	simm.s32 $0x15000  }
0x36: {  	v0 =	vand.u32 $0x7, v2;
	v2 =	vor.u32 $0x8, v2;
	v1 =	vmul.u32 $0x8, v1;
	s1 =	simm.s32 $0x2;
	s5 =	smax.u32 s6, $0x1;
	s6 =	simm.s32 $0x3  }
.LBB2_1:
0x37: {  	s0 =	rddreg [dreg:$0x3]  }
0x38: {  	s8 =	rddreg [dreg:$0x7]  }
0x39: {  	[tilespmem:s8], [sflag:$0x3] =	stream.linear.gather [hbm4b:s0+s2], $0x80, $0x38;
	[tilespmem:$0x18100] =	vst v63  }
0x3a: {  	_ =	swait.ge [sflag:s6], $0x80  }
0x3b: {  	s0 =	rddreg [dreg:$0x4];
	[sflag:s6] =	ssyncset.done $0x0  }
0x3c: {  	s8 =	rddreg [dreg:$0x8];
	[sflag:s6] =	ssyncadd.s32 $0xFFFFFF80  }
0x3d: {  	[tilespmem:s8], [sflag:$0x3] =	stream.linear.gather [hbm4b:s0+s2], $0x80, $0x38;
	[tilespmem:$0x18100] =	vst v63  }
0x3e: {  	_ =	swait.ge [sflag:s6], $0x80  }
0x3f: {  	[sflag:s6] =	ssyncset.done $0x0  }
0x40: {  	[sflag:s6] =	ssyncadd.s32 $0xFFFFFF80  }
0x41: {  	v3 =	vld [tilespmem:$0x18000];
	_ =	sdelay $0x4  }
0x42: {  	v4 =	vshrl.u32 v3, $0x3  }
0x43: {  	v4 =	vmul.u32 $0x18, v4  }
0x44: {  	v3 =	vand.u32 $0x7, v3  }
0x45: {  	v3 =	vor.u32 v3, v4  }
0x46: {  	v4 =	vperm.xlane v3, v0;
	_ =	sdelay $0x1  }
0x47: {  	v4 =	vadd.s32 v1, v4;
	_ =	sdelay $0x1  }
0x48: {  	v3 =	vperm.xlane v3, v2;
	_ =	sdelay $0x1  }
0x49: {  	v3 =	vadd.s32 v1, v3  }
0x4a: {  	[tilespmem:s2], [sflag:$0x1] =	stream.indirect_vreg.gather [hbm4b:s3+s2], $0x80, v4, vm0, $0xb8;
	[tilespmem:$0x18100] =	vst v63  }
0x4b: {  	s0 =	rddreg [dreg:$0x9]  }
0x4c: {  	[tilespmem:s0], [sflag:$0x1] =	stream.indirect_vreg.gather [hbm4b:s4+s2], $0x80, v4, vm1, $0xb8;
	[tilespmem:$0x18100] =	vst v63  }
0x4d: {  	s8 =	rddreg [dreg:$0xa]  }
0x4e: {  	[tilespmem:s8], [sflag:$0x1] =	stream.indirect_vreg.gather [hbm4b:s3+s2], $0x80, v3, vm0, $0xb8;
	[tilespmem:$0x18100] =	vst v63  }
0x4f: {  	s0 =	rddreg [dreg:$0xb]  }
0x50: {  	[tilespmem:s0], [sflag:$0x1] =	stream.indirect_vreg.gather [hbm4b:s4+s2], $0x80, v3, vm1, $0xb8;
	[tilespmem:$0x18100] =	vst v63  }
0x51: {  	v3 =	vld [tilespmem:$0x18010];
	_ =	sdelay $0x4  }
0x52: {  	v49 =	vshrl.u32 v3, $0x3  }
0x53: {  	v4 =	vmul.u32 $0x18, v49  }
0x54: {  	v3 =	vand.u32 $0x7, v3  }
0x55: {  	v3 =	vor.u32 v3, v4  }
0x56: {  	v4 =	vperm.xlane v3, v0;
	_ =	sdelay $0x1  }
0x57: {  	v4 =	vadd.s32 v1, v4;
	_ =	sdelay $0x1  }
0x58: {  	v3 =	vperm.xlane v3, v2;
	_ =	sdelay $0x1  }
0x59: {  	s0 =	rddreg [dreg:$0xc];
	v3 =	vadd.s32 v1, v3  }
0x5a: {  	[tilespmem:s0], [sflag:$0x1] =	stream.indirect_vreg.gather [hbm4b:s3+s2], $0x80, v4, vm0, $0xb8;
	[tilespmem:$0x18100] =	vst v63  }
0x5b: {  	s8 =	rddreg [dreg:$0xd]  }
0x5c: {  	[tilespmem:s8], [sflag:$0x1] =	stream.indirect_vreg.gather [hbm4b:s4+s2], $0x80, v4, vm1, $0xb8;
	[tilespmem:$0x18100] =	vst v63  }
0x5d: {  	s0 =	rddreg [dreg:$0xe]  }
0x5e: {  	[tilespmem:s0], [sflag:$0x1] =	stream.indirect_vreg.gather [hbm4b:s3+s2], $0x80, v3, vm0, $0xb8;
	[tilespmem:$0x18100] =	vst v63  }
0x5f: {  	s8 =	rddreg [dreg:$0xf]  }
0x60: {  	[tilespmem:s8], [sflag:$0x1] =	stream.indirect_vreg.gather [hbm4b:s4+s2], $0x80, v3, vm1, $0xb8;
	[tilespmem:$0x18100] =	vst v63  }
0x61: {  	v3 =	vld [tilespmem:$0x18020];
	_ =	sdelay $0x4  }
0x62: {  	v50 =	vshrl.u32 v3, $0x3  }
0x63: {  	v4 =	vmul.u32 $0x18, v50  }
0x64: {  	v3 =	vand.u32 $0x7, v3  }
0x65: {  	v3 =	vor.u32 v3, v4  }
0x66: {  	v4 =	vperm.xlane v3, v0;
	_ =	sdelay $0x1  }
0x67: {  	v4 =	vadd.s32 v1, v4;
	_ =	sdelay $0x1  }
0x68: {  	v3 =	vperm.xlane v3, v2;
	_ =	sdelay $0x1  }
0x69: {  	s0 =	rddreg [dreg:$0x10];
	v3 =	vadd.s32 v1, v3  }
0x6a: {  	[tilespmem:s0], [sflag:$0x1] =	stream.indirect_vreg.gather [hbm4b:s3+s2], $0x80, v4, vm0, $0xb8;
	[tilespmem:$0x18100] =	vst v63  }
0x6b: {  	s8 =	rddreg [dreg:$0x11]  }
0x6c: {  	[tilespmem:s8], [sflag:$0x1] =	stream.indirect_vreg.gather [hbm4b:s4+s2], $0x80, v4, vm1, $0xb8;
	[tilespmem:$0x18100] =	vst v63  }
0x6d: {  	s0 =	rddreg [dreg:$0x12]  }
0x6e: {  	[tilespmem:s0], [sflag:$0x1] =	stream.indirect_vreg.gather [hbm4b:s3+s2], $0x80, v3, vm0, $0xb8;
	[tilespmem:$0x18100] =	vst v63  }
0x6f: {  	s8 =	rddreg [dreg:$0x13]  }
0x70: {  	[tilespmem:s8], [sflag:$0x1] =	stream.indirect_vreg.gather [hbm4b:s4+s2], $0x80, v3, vm1, $0xb8;
	[tilespmem:$0x18100] =	vst v63  }
0x71: {  	v3 =	vld [tilespmem:$0x18030];
	_ =	sdelay $0x4  }
0x72: {  	v51 =	vshrl.u32 v3, $0x3  }
0x73: {  	v4 =	vmul.u32 $0x18, v51  }
0x74: {  	v3 =	vand.u32 $0x7, v3  }
0x75: {  	v3 =	vor.u32 v3, v4  }
0x76: {  	v4 =	vperm.xlane v3, v0;
	_ =	sdelay $0x1  }
0x77: {  	v4 =	vadd.s32 v1, v4;
	_ =	sdelay $0x1  }
0x78: {  	v3 =	vperm.xlane v3, v2;
	_ =	sdelay $0x1  }
0x79: {  	s0 =	rddreg [dreg:$0x14];
	v3 =	vadd.s32 v1, v3  }
0x7a: {  	[tilespmem:s0], [sflag:$0x1] =	stream.indirect_vreg.gather [hbm4b:s3+s2], $0x80, v4, vm0, $0xb8;
	[tilespmem:$0x18100] =	vst v63  }
0x7b: {  	s8 =	rddreg [dreg:$0x15]  }
0x7c: {  	[tilespmem:s8], [sflag:$0x1] =	stream.indirect_vreg.gather [hbm4b:s4+s2], $0x80, v4, vm1, $0xb8;
	[tilespmem:$0x18100] =	vst v63  }
0x7d: {  	s0 =	rddreg [dreg:$0x16]  }
0x7e: {  	[tilespmem:s0], [sflag:$0x1] =	stream.indirect_vreg.gather [hbm4b:s3+s2], $0x80, v3, vm0, $0xb8;
	[tilespmem:$0x18100] =	vst v63  }
0x7f: {  	s8 =	rddreg [dreg:$0x17]  }
0x80: {  	[tilespmem:s8], [sflag:$0x1] =	stream.indirect_vreg.gather [hbm4b:s4+s2], $0x80, v3, vm1, $0xb8;
	[tilespmem:$0x18100] =	vst v63  }
0x81: {  	v3 =	vld [tilespmem:$0x18040];
	_ =	sdelay $0x4  }
0x82: {  	v52 =	vshrl.u32 v3, $0x3  }
0x83: {  	v4 =	vmul.u32 $0x18, v52  }
0x84: {  	v3 =	vand.u32 $0x7, v3  }
0x85: {  	v3 =	vor.u32 v3, v4  }
0x86: {  	v4 =	vperm.xlane v3, v0;
	_ =	sdelay $0x1  }
0x87: {  	v4 =	vadd.s32 v1, v4;
	_ =	sdelay $0x1  }
0x88: {  	v3 =	vperm.xlane v3, v2;
	_ =	sdelay $0x1  }
0x89: {  	s0 =	rddreg [dreg:$0x18];
	v3 =	vadd.s32 v1, v3  }
0x8a: {  	[tilespmem:s0], [sflag:$0x1] =	stream.indirect_vreg.gather [hbm4b:s3+s2], $0x80, v4, vm0, $0xb8;
	[tilespmem:$0x18100] =	vst v63  }
0x8b: {  	s8 =	rddreg [dreg:$0x19]  }
0x8c: {  	[tilespmem:s8], [sflag:$0x1] =	stream.indirect_vreg.gather [hbm4b:s4+s2], $0x80, v4, vm1, $0xb8;
	[tilespmem:$0x18100] =	vst v63  }
0x8d: {  	s0 =	rddreg [dreg:$0x1a]  }
0x8e: {  	[tilespmem:s0], [sflag:$0x1] =	stream.indirect_vreg.gather [hbm4b:s3+s2], $0x80, v3, vm0, $0xb8;
	[tilespmem:$0x18100] =	vst v63  }
0x8f: {  	s8 =	rddreg [dreg:$0x1b]  }
0x90: {  	[tilespmem:s8], [sflag:$0x1] =	stream.indirect_vreg.gather [hbm4b:s4+s2], $0x80, v3, vm1, $0xb8;
	[tilespmem:$0x18100] =	vst v63  }
0x91: {  	v3 =	vld [tilespmem:$0x18050];
	_ =	sdelay $0x4  }
0x92: {  	v53 =	vshrl.u32 v3, $0x3  }
0x93: {  	v4 =	vmul.u32 $0x18, v53  }
0x94: {  	v3 =	vand.u32 $0x7, v3  }
0x95: {  	v3 =	vor.u32 v3, v4  }
0x96: {  	v4 =	vperm.xlane v3, v0;
	_ =	sdelay $0x1  }
0x97: {  	v4 =	vadd.s32 v1, v4;
	_ =	sdelay $0x1  }
0x98: {  	v3 =	vperm.xlane v3, v2;
	_ =	sdelay $0x1  }
0x99: {  	s0 =	rddreg [dreg:$0x1c];
	v3 =	vadd.s32 v1, v3  }
0x9a: {  	[tilespmem:s0], [sflag:$0x1] =	stream.indirect_vreg.gather [hbm4b:s3+s2], $0x80, v4, vm0, $0xb8;
	[tilespmem:$0x18100] =	vst v63  }
0x9b: {  	s8 =	rddreg [dreg:$0x1d]  }
0x9c: {  	[tilespmem:s8], [sflag:$0x1] =	stream.indirect_vreg.gather [hbm4b:s4+s2], $0x80, v4, vm1, $0xb8;
	[tilespmem:$0x18100] =	vst v63  }
0x9d: {  	s0 =	rddreg [dreg:$0x1e]  }
0x9e: {  	[tilespmem:s0], [sflag:$0x1] =	stream.indirect_vreg.gather [hbm4b:s3+s2], $0x80, v3, vm0, $0xb8;
	[tilespmem:$0x18100] =	vst v63  }
0x9f: {  	s8 =	rddreg [dreg:$0x1f]  }
0xa0: {  	[tilespmem:s8], [sflag:$0x1] =	stream.indirect_vreg.gather [hbm4b:s4+s2], $0x80, v3, vm1, $0xb8;
	[tilespmem:$0x18100] =	vst v63  }
0xa1: {  	v3 =	vld [tilespmem:$0x18060];
	_ =	sdelay $0x4  }
0xa2: {  	v54 =	vshrl.u32 v3, $0x3  }
0xa3: {  	v4 =	vmul.u32 $0x18, v54  }
0xa4: {  	v3 =	vand.u32 $0x7, v3  }
0xa5: {  	v3 =	vor.u32 v3, v4  }
0xa6: {  	v4 =	vperm.xlane v3, v0;
	_ =	sdelay $0x1  }
0xa7: {  	v4 =	vadd.s32 v1, v4;
	_ =	sdelay $0x1  }
0xa8: {  	s0 =	sld [smem:$0x7ED];
	v3 =	vperm.xlane v3, v2;
	_ =	sdelay $0x1  }
0xa9: {  	s8 =	sld [smem:$0x7EE];
	v3 =	vadd.s32 v1, v3  }
0xaa: {  	[tilespmem:s0], [sflag:$0x1] =	stream.indirect_vreg.gather [hbm4b:s3+s2], $0x80, v4, vm0, $0xb8;
	[tilespmem:$0x18100] =	vst v63  }
0xab: {  	s0 =	sld [smem:$0x7EF]  }
0xac: {  	[tilespmem:s8], [sflag:$0x1] =	stream.indirect_vreg.gather [hbm4b:s4+s2], $0x80, v4, vm1, $0xb8;
	[tilespmem:$0x18100] =	vst v63  }
0xad: {  	s8 =	sld [smem:$0x7F0]  }
0xae: {  	[tilespmem:s0], [sflag:$0x1] =	stream.indirect_vreg.gather [hbm4b:s3+s2], $0x80, v3, vm0, $0xb8;
	[tilespmem:$0x18100] =	vst v63  }
0xaf: {  	_ = 	snop  }
0xb0: {  	[tilespmem:s8], [sflag:$0x1] =	stream.indirect_vreg.gather [hbm4b:s4+s2], $0x80, v3, vm1, $0xb8;
	[tilespmem:$0x18100] =	vst v63  }
0xb1: {  	v3 =	vld [tilespmem:$0x18070];
	_ =	sdelay $0x4  }
0xb2: {  	v55 =	vshrl.u32 v3, $0x3  }
0xb3: {  	v4 =	vmul.u32 $0x18, v55  }
0xb4: {  	v3 =	vand.u32 $0x7, v3  }
0xb5: {  	v3 =	vor.u32 v3, v4  }
0xb6: {  	v4 =	vperm.xlane v3, v0;
	_ =	sdelay $0x1  }
0xb7: {  	v4 =	vadd.s32 v1, v4;
	_ =	sdelay $0x1  }
0xb8: {  	s0 =	sld [smem:$0x7F1];
	v3 =	vperm.xlane v3, v2;
	_ =	sdelay $0x1  }
0xb9: {  	s8 =	sld [smem:$0x7F2];
	v3 =	vadd.s32 v1, v3  }
0xba: {  	[tilespmem:s0], [sflag:$0x1] =	stream.indirect_vreg.gather [hbm4b:s3+s2], $0x80, v4, vm0, $0xb8;
	[tilespmem:$0x18100] =	vst v63  }
0xbb: {  	s0 =	sld [smem:$0x7F3]  }
0xbc: {  	[tilespmem:s8], [sflag:$0x1] =	stream.indirect_vreg.gather [hbm4b:s4+s2], $0x80, v4, vm1, $0xb8;
	[tilespmem:$0x18100] =	vst v63  }
0xbd: {  	s8 =	sld [smem:$0x7F4]  }
0xbe: {  	[tilespmem:s0], [sflag:$0x1] =	stream.indirect_vreg.gather [hbm4b:s3+s2], $0x80, v3, vm0, $0xb8;
	[tilespmem:$0x18100] =	vst v63  }
0xbf: {  	_ = 	snop  }
0xc0: {  	[tilespmem:s8], [sflag:$0x1] =	stream.indirect_vreg.gather [hbm4b:s4+s2], $0x80, v3, vm1, $0xb8;
	[tilespmem:$0x18100] =	vst v63  }
0xc1: {  	v3 =	vld [tilespmem:$0x18080];
	_ =	sdelay $0x4  }
0xc2: {  	v56 =	vshrl.u32 v3, $0x3  }
0xc3: {  	v4 =	vmul.u32 $0x18, v56  }
0xc4: {  	v3 =	vand.u32 $0x7, v3  }
0xc5: {  	v3 =	vor.u32 v3, v4  }
0xc6: {  	v4 =	vperm.xlane v3, v0;
	_ =	sdelay $0x1  }
0xc7: {  	v4 =	vadd.s32 v1, v4;
	_ =	sdelay $0x1  }
0xc8: {  	v3 =	vperm.xlane v3, v2;
	_ =	sdelay $0x1  }
0xc9: {  	s0 =	sld [smem:$0x7F5];
	v3 =	vadd.s32 v1, v3  }
0xca: {  	[tilespmem:s7], [sflag:$0x2] =	stream.indirect_vreg.gather [hbm4b:s3+s2], $0x80, v4, vm0, $0xb8;
	[tilespmem:$0x18100] =	vst v63  }
0xcb: {  	s8 =	sld [smem:$0x7F6]  }
0xcc: {  	[tilespmem:s0], [sflag:$0x2] =	stream.indirect_vreg.gather [hbm4b:s4+s2], $0x80, v4, vm1, $0xb8;
	[tilespmem:$0x18100] =	vst v63  }
0xcd: {  	s0 =	sld [smem:$0x7F7]  }
0xce: {  	[tilespmem:s8], [sflag:$0x2] =	stream.indirect_vreg.gather [hbm4b:s3+s2], $0x80, v3, vm0, $0xb8;
	[tilespmem:$0x18100] =	vst v63  }
0xcf: {  	_ = 	snop  }
0xd0: {  	[tilespmem:s0], [sflag:$0x2] =	stream.indirect_vreg.gather [hbm4b:s4+s2], $0x80, v3, vm1, $0xb8;
	[tilespmem:$0x18100] =	vst v63  }
0xd1: {  	v3 =	vld [tilespmem:$0x18090];
	_ =	sdelay $0x4  }
0xd2: {  	v57 =	vshrl.u32 v3, $0x3  }
0xd3: {  	v4 =	vmul.u32 $0x18, v57  }
0xd4: {  	v3 =	vand.u32 $0x7, v3  }
0xd5: {  	v3 =	vor.u32 v3, v4  }
0xd6: {  	v4 =	vperm.xlane v3, v0;
	_ =	sdelay $0x1  }
0xd7: {  	v4 =	vadd.s32 v1, v4;
	_ =	sdelay $0x1  }
0xd8: {  	s0 =	sld [smem:$0x7F8];
	v3 =	vperm.xlane v3, v2;
	_ =	sdelay $0x1  }
0xd9: {  	s8 =	sld [smem:$0x7F9];
	v3 =	vadd.s32 v1, v3  }
0xda: {  	[tilespmem:s0], [sflag:$0x2] =	stream.indirect_vreg.gather [hbm4b:s3+s2], $0x80, v4, vm0, $0xb8;
	[tilespmem:$0x18100] =	vst v63  }
0xdb: {  	s0 =	sld [smem:$0x7FA]  }
0xdc: {  	[tilespmem:s8], [sflag:$0x2] =	stream.indirect_vreg.gather [hbm4b:s4+s2], $0x80, v4, vm1, $0xb8;
	[tilespmem:$0x18100] =	vst v63  }
0xdd: {  	s8 =	sld [smem:$0x7FB]  }
0xde: {  	[tilespmem:s0], [sflag:$0x2] =	stream.indirect_vreg.gather [hbm4b:s3+s2], $0x80, v3, vm0, $0xb8;
	[tilespmem:$0x18100] =	vst v63  }
0xdf: {  	_ = 	snop  }
0xe0: {  	[tilespmem:s8], [sflag:$0x2] =	stream.indirect_vreg.gather [hbm4b:s4+s2], $0x80, v3, vm1, $0xb8;
	[tilespmem:$0x18100] =	vst v63  }
0xe1: {  	v3 =	vld [tilespmem:$0x180A0];
	_ =	sdelay $0x4  }
0xe2: {  	v58 =	vshrl.u32 v3, $0x3  }
0xe3: {  	v4 =	vmul.u32 $0x18, v58  }
0xe4: {  	v3 =	vand.u32 $0x7, v3  }
0xe5: {  	v3 =	vor.u32 v3, v4  }
0xe6: {  	v4 =	vperm.xlane v3, v0;
	_ =	sdelay $0x1  }
0xe7: {  	v4 =	vadd.s32 v1, v4;
	_ =	sdelay $0x1  }
0xe8: {  	s0 =	sld [smem:$0x7FC];
	v3 =	vperm.xlane v3, v2;
	_ =	sdelay $0x1  }
0xe9: {  	s8 =	sld [smem:$0x7FD];
	v3 =	vadd.s32 v1, v3  }
0xea: {  	[tilespmem:s0], [sflag:$0x2] =	stream.indirect_vreg.gather [hbm4b:s3+s2], $0x80, v4, vm0, $0xb8;
	[tilespmem:$0x18100] =	vst v63  }
0xeb: {  	_ = 	snop  }
0xec: {  	[tilespmem:s8], [sflag:$0x2] =	stream.indirect_vreg.gather [hbm4b:s4+s2], $0x80, v4, vm1, $0xb8;
	[tilespmem:$0x18100] =	vst v63  }
0xed: {  	s8 =	simm.s32 $0xFC00  }
0xee: {  	[tilespmem:s8], [sflag:$0x2] =	stream.indirect_vreg.gather [hbm4b:s3+s2], $0x80, v3, vm0, $0xb8;
	[tilespmem:$0x18100] =	vst v63  }
0xef: {  	_ = 	snop  }
0xf0: {  	[tilespmem:s9], [sflag:$0x2] =	stream.indirect_vreg.gather [hbm4b:s4+s2], $0x80, v3, vm1, $0xb8;
	[tilespmem:$0x18100] =	vst v63  }
0xf1: {  	v3 =	vld [tilespmem:$0x180B0];
	_ =	sdelay $0x4  }
0xf2: {  	v59 =	vshrl.u32 v3, $0x3  }
0xf3: {  	v4 =	vmul.u32 $0x18, v59  }
0xf4: {  	v3 =	vand.u32 $0x7, v3  }
0xf5: {  	v3 =	vor.u32 v3, v4  }
0xf6: {  	v4 =	vperm.xlane v3, v0;
	_ =	sdelay $0x1  }
0xf7: {  	v4 =	vadd.s32 v1, v4;
	_ =	sdelay $0x1  }
0xf8: {  	v3 =	vperm.xlane v3, v2;
	_ =	sdelay $0x1  }
0xf9: {  	v3 =	vadd.s32 v1, v3  }
0xfa: {  	[tilespmem:s10], [sflag:$0x2] =	stream.indirect_vreg.gather [hbm4b:s3+s2], $0x80, v4, vm0, $0xb8;
	[tilespmem:$0x18100] =	vst v63  }
0xfb: {  	_ = 	snop  }
0xfc: {  	[tilespmem:s11], [sflag:$0x2] =	stream.indirect_vreg.gather [hbm4b:s4+s2], $0x80, v4, vm1, $0xb8;
	[tilespmem:$0x18100] =	vst v63  }
0xfd: {  	_ = 	snop  }
0xfe: {  	[tilespmem:s12], [sflag:$0x2] =	stream.indirect_vreg.gather [hbm4b:s3+s2], $0x80, v3, vm0, $0xb8;
	[tilespmem:$0x18100] =	vst v63  }
0xff: {  	_ = 	snop  }
0x100: {  	[tilespmem:s13], [sflag:$0x2] =	stream.indirect_vreg.gather [hbm4b:s4+s2], $0x80, v3, vm1, $0xb8;
	[tilespmem:$0x18100] =	vst v63  }
0x101: {  	v3 =	vld [tilespmem:$0x180C0];
	_ =	sdelay $0x4  }
0x102: {  	v60 =	vshrl.u32 v3, $0x3  }
0x103: {  	v4 =	vmul.u32 $0x18, v60  }
0x104: {  	v3 =	vand.u32 $0x7, v3  }
0x105: {  	v3 =	vor.u32 v3, v4  }
0x106: {  	v4 =	vperm.xlane v3, v0;
	_ =	sdelay $0x1  }
0x107: {  	v4 =	vadd.s32 v1, v4;
	_ =	sdelay $0x1  }
0x108: {  	v3 =	vperm.xlane v3, v2;
	_ =	sdelay $0x1  }
0x109: {  	v3 =	vadd.s32 v1, v3  }
0x10a: {  	[tilespmem:s14], [sflag:$0x2] =	stream.indirect_vreg.gather [hbm4b:s3+s2], $0x80, v4, vm0, $0xb8;
	[tilespmem:$0x18100] =	vst v63  }
0x10b: {  	_ = 	snop  }
0x10c: {  	[tilespmem:s15], [sflag:$0x2] =	stream.indirect_vreg.gather [hbm4b:s4+s2], $0x80, v4, vm1, $0xb8;
	[tilespmem:$0x18100] =	vst v63  }
0x10d: {  	_ = 	snop  }
0x10e: {  	[tilespmem:s16], [sflag:$0x2] =	stream.indirect_vreg.gather [hbm4b:s3+s2], $0x80, v3, vm0, $0xb8;
	[tilespmem:$0x18100] =	vst v63  }
0x10f: {  	_ = 	snop  }
0x110: {  	[tilespmem:s17], [sflag:$0x2] =	stream.indirect_vreg.gather [hbm4b:s4+s2], $0x80, v3, vm1, $0xb8;
	[tilespmem:$0x18100] =	vst v63  }
0x111: {  	v3 =	vld [tilespmem:$0x180D0];
	_ =	sdelay $0x4  }
0x112: {  	v61 =	vshrl.u32 v3, $0x3  }
0x113: {  	v4 =	vmul.u32 $0x18, v61  }
0x114: {  	v3 =	vand.u32 $0x7, v3  }
0x115: {  	v3 =	vor.u32 v3, v4  }
0x116: {  	v4 =	vperm.xlane v3, v0;
	_ =	sdelay $0x1  }
0x117: {  	v4 =	vadd.s32 v1, v4;
	_ =	sdelay $0x1  }
0x118: {  	v3 =	vperm.xlane v3, v2;
	_ =	sdelay $0x1  }
0x119: {  	v3 =	vadd.s32 v1, v3  }
0x11a: {  	[tilespmem:s18], [sflag:$0x2] =	stream.indirect_vreg.gather [hbm4b:s3+s2], $0x80, v4, vm0, $0xb8;
	[tilespmem:$0x18100] =	vst v63  }
0x11b: {  	_ = 	snop  }
0x11c: {  	[tilespmem:s19], [sflag:$0x2] =	stream.indirect_vreg.gather [hbm4b:s4+s2], $0x80, v4, vm1, $0xb8;
	[tilespmem:$0x18100] =	vst v63  }
0x11d: {  	_ = 	snop  }
0x11e: {  	[tilespmem:s20], [sflag:$0x2] =	stream.indirect_vreg.gather [hbm4b:s3+s2], $0x80, v3, vm0, $0xb8;
	[tilespmem:$0x18100] =	vst v63  }
0x11f: {  	_ = 	snop  }
0x120: {  	[tilespmem:s21], [sflag:$0x2] =	stream.indirect_vreg.gather [hbm4b:s4+s2], $0x80, v3, vm1, $0xb8;
	[tilespmem:$0x18100] =	vst v63  }
0x121: {  	v3 =	vld [tilespmem:$0x180E0];
	_ =	sdelay $0x4  }
0x122: {  	v62 =	vshrl.u32 v3, $0x3  }
0x123: {  	v4 =	vmul.u32 $0x18, v62  }
0x124: {  	v3 =	vand.u32 $0x7, v3  }
0x125: {  	v3 =	vor.u32 v3, v4  }
0x126: {  	v4 =	vperm.xlane v3, v0;
	_ =	sdelay $0x1  }
0x127: {  	v4 =	vadd.s32 v1, v4;
	_ =	sdelay $0x1  }
0x128: {  	v3 =	vperm.xlane v3, v2;
	_ =	sdelay $0x1  }
0x129: {  	v3 =	vadd.s32 v1, v3  }
0x12a: {  	[tilespmem:s22], [sflag:$0x2] =	stream.indirect_vreg.gather [hbm4b:s3+s2], $0x80, v4, vm0, $0xb8;
	[tilespmem:$0x18100] =	vst v63  }
0x12b: {  	_ = 	snop  }
0x12c: {  	[tilespmem:s23], [sflag:$0x2] =	stream.indirect_vreg.gather [hbm4b:s4+s2], $0x80, v4, vm1, $0xb8;
	[tilespmem:$0x18100] =	vst v63  }
0x12d: {  	_ = 	snop  }
0x12e: {  	[tilespmem:s24], [sflag:$0x2] =	stream.indirect_vreg.gather [hbm4b:s3+s2], $0x80, v3, vm0, $0xb8;
	[tilespmem:$0x18100] =	vst v63  }
0x12f: {  	_ = 	snop  }
0x130: {  	[tilespmem:s25], [sflag:$0x2] =	stream.indirect_vreg.gather [hbm4b:s4+s2], $0x80, v3, vm1, $0xb8;
	[tilespmem:$0x18100] =	vst v63  }
0x131: {  	v3 =	vld [tilespmem:$0x180F0];
	_ =	sdelay $0x4  }
0x132: {  	v63 =	vshrl.u32 v3, $0x3  }
0x133: {  	v4 =	vmul.u32 $0x18, v63  }
0x134: {  	v3 =	vand.u32 $0x7, v3  }
0x135: {  	v3 =	vor.u32 v3, v4  }
0x136: {  	v4 =	vperm.xlane v3, v0;
	_ =	sdelay $0x1  }
0x137: {  	v4 =	vadd.s32 v1, v4;
	_ =	sdelay $0x1  }
0x138: {  	v3 =	vperm.xlane v3, v2;
	_ =	sdelay $0x1  }
0x139: {  	v3 =	vadd.s32 v1, v3  }
0x13a: {  	[tilespmem:s26], [sflag:$0x2] =	stream.indirect_vreg.gather [hbm4b:s3+s2], $0x80, v4, vm0, $0xb8;
	[tilespmem:$0x18100] =	vst v63  }
0x13b: {  	_ = 	snop  }
0x13c: {  	[tilespmem:s28], [sflag:$0x2] =	stream.indirect_vreg.gather [hbm4b:s4+s2], $0x80, v4, vm1, $0xb8;
	[tilespmem:$0x18100] =	vst v63  }
0x13d: {  	_ = 	snop  }
0x13e: {  	[tilespmem:s29], [sflag:$0x2] =	stream.indirect_vreg.gather [hbm4b:s3+s2], $0x80, v3, vm0, $0xb8;
	[tilespmem:$0x18100] =	vst v63  }
0x13f: {  	_ = 	snop  }
0x140: {  	[tilespmem:s30], [sflag:$0x2] =	stream.indirect_vreg.gather [hbm4b:s4+s2], $0x80, v3, vm1, $0xb8;
	[tilespmem:$0x18100] =	vst v63  }
0x141: {  	_ =	swait.ge [sflag:s31], $0xC000  }
0x142: {  	[sflag:s31] =	ssyncset.done $0x0  }
0x143: {  	s8 =	rddreg [dreg:$0x5];
	[sflag:s31] =	ssyncadd.s32 $0xFFFF4000  }
0x144: {  	[hbm4b:s8+s2] =	stream.linear.scatter [tilespmem:s2], [sflag:$0x3], $0xC000, $0x38;
	[tilespmem:$0x18100] =	vst v63  }
0x145: {  	_ =	swait.ge [sflag:s6], $0xC000  }
0x146: {  	[sflag:s6] =	ssyncset.done $0x0  }
0x147: {  	[sflag:s6] =	ssyncadd.s32 $0xFFFF4000  }
0x148: {  	_ =	swait.ge [sflag:s1], $0xC000  }
0x149: {  	p0 =	sne.s32 s5, $0x1;
	[sflag:s1] =	ssyncset.done $0x0  }
.Ltmp0:
0x14a: {  	s8 =	rddreg [dreg:$0x6];
	[sflag:s1] =	ssyncadd.s32 $0xFFFF4000;
	(pc) =	sbr.rel @p0 .LBB2_1-.Ltmp0, $4  }
0x14b: {  	[hbm4b:s8+s2] =	stream.linear.scatter [tilespmem:s7], [sflag:$0x3], $0xC000, $0x38;
	[tilespmem:$0x18100] =	vst v63  }
0x14c: {  	_ =	swait.ge [sflag:s6], $0xC000  }
0x14d: {  	[sflag:s6] =	ssyncset.done $0x0  }
0x14e: {  	s5 =	sadd.s32 $0xFFFFFFFF, s5;
	[sflag:s6] =	ssyncadd.s32 $0xFFFF4000  }
0x14f: {  	_ =	sfence.sel $0x180000  }
0x150: {  	[bflag:$0x0] =	sbarrier.arrive $0xFFFF  }
0x151: {  	_ =	strace $0x9000004A  }
0x152: {  	s0 =	stileid.u32;
	[bflag:$0x2] =	sbarrier.arrive $0xFFFF  }
0x153: {  	p0 =	sne.s32 s0, $0x0;
	s0 =	rddreg [dreg:$0x2]  }
0x154: {  	s0 =	sadd.s32 @!p0 $0x100000, s0  }
0x155: {  	[sflag:s0] =	ssyncadd.tile.s32 @!p0 $0x1;
	_ =	shalt  }
.Lfunc_end2:
_tile_overlayer_lowered:
.L_overlay_start_2:
0x156: {  	(tag) =	ssettag $0x2  }
0x157: {  	s0 =	rddreg [dreg:$0x0];
	s2 =	stileid.u32  }
0x158: {  	s1 =	rddreg [dreg:$0x1];
	p0 =	sne.s32 s2, $0x0  }
0x159: {  	s3 =	rddreg [dreg:$0x2];
	[bflag:$0x3] =	sbarrier.arrive $0xFFFF;
	s2 =	simm.s32 @!p0 $0x1C03  }
0x15a: {  	[timem:s3], [sflag:s2] =	dma.local @!p0 [hbm:s0], s1  }
0x15b: {  	s0 =	simm.s32 @!p0 $0x3  }
0x15c: {  	_ =	swait.ge @!p0 [sflag:s0], s1  }
0x15d: {  	s1 =	ssub.s32 @!p0 $0x0, s1;
	[sflag:s0] =	ssyncset.done @!p0 $0x0  }
0x15e: {  	[sflag:s0] =	ssyncadd.s32 @!p0 s1  }
0x15f: {  	[bflag:$0x3] =	sbarrier.arrive $0xFFFF  }
0x160: {  	_ =	shalt  }

// kernel: kernel.7.cloned.1.call-start
scs
__scs_entry_jumppad:
0x0: {  	(pc) =	sbr.rel $0x88, $3  }
0x1: {  	(tag) =	ssettag $0x0;
	lr =	simm.s32 $0x1  }
0x2: {  	[smem:$0x3F97] =	sst lr;
	_ =	strace $0xD0000000  }
0x3: {  	_ = 	snop  }
0x4: {  	_ = 	snop  }
0x5: {  	_ = 	snop  }
0x6: {  	_ = 	snop  }
0x7: {  	_ = 	snop  }
__scs_overlays_trampoline_lowered:
0x8: {  	[smem:$0x3FA6] =	sst s0  }
0x9: {  	[smem:$0x3FA7] =	sst s1  }
0xa: {  	[smem:$0x3FA8] =	sst s2  }
0xb: {  	[smem:$0x3FA9] =	sst s3  }
0xc: {  	[smem:$0x3FAA] =	sst s4  }
0xd: {  	[smem:$0x3FAB] =	sst s5  }
0xe: {  	[smem:$0x3FAC] =	sst s6  }
0xf: {  	[smem:$0x3FAD] =	sst s7  }
0x10: {  	[smem:$0x3FAE] =	sst s8  }
0x11: {  	[smem:$0x3FAF] =	sst s9;
	s0 =	simm.s32 @!p0 $0x0  }
0x12: {  	s1 =	sld [smem:$0x3F95];
	s0 =	simm.s32 @p0 $0x1  }
0x13: {  	[smem:$0x3FB0] =	sst s0;
	s0 =	simm.s32 @!p1 $0x0  }
0x14: {  	s2 =	sld [smem:$0x3F94];
	s0 =	simm.s32 @p1 $0x1  }
0x15: {  	[smem:$0x3FB1] =	sst s0;
	s0 =	simm.s32 @!p2 $0x0  }
0x16: {  	s3 =	sld [smem:$0x3FDB];
	s0 =	simm.s32 @p2 $0x1  }
0x17: {  	s4 =	simm.s32 $0x1BF5;
	[smem:$0x3FB3] =	sst s0  }
0x18: {  	s0 =	sld [smem:$0x3F96];
	_ =	swait.ge [sflag:s4], $0x0  }
0x19: {  	s7 =	sld [smem:$0x3F97]  }
0x1a: {  	s8 =	sadd.s32 $0xFFFFE003, lr  }
0x1b: {  	s9 =	sadd.s32 $0xFFFFFEF7, lr;
	s5 =	simm.s32 $0xFFFFFFFF;
	p2 =	slt.u32 s8, $0xFFFFF086  }
0x1c: {  	p1 =	slt.u32 s9, $0xF7A;
	s5 =	simm.s32 @!p2 $0x0  }
0x1d: {  	s5 =	simm.s32 @p1 $0x1;
	p0 =	seq.s32 s7, s2  }
0x1e: {  	s7 =	smul.u32 @!p0 $0xF7A, s2;
	p2 =	seq.s32 @!p0 s5, $0x0  }
0x1f: {  	s9 =	smul.u32 $0xF7A, s1;
	s8 =	simm.s32 @!p0 $0x1BF5;
	p2 =	por !p2, p0  }
0x20: {  	[sflag:s8] =	ssyncset.s32 @!p0 $0xFFFFF086;
	s6 =	sadd.s32 @!p0 s3, s7;
	s7 =	simm.s32 @!p0 $0x108  }
0x21: {  	s3 =	sadd.s32 s3, s9;
	s6 =	sadd.s32 @!p0 $0x88, s6;
	s7 =	simm.s32 @p2 $0x1082  }
0x22: {  	[simem:s7], [sflag:s8] =	dma.local @!p0 [hbm:s6], $0xF7A  }
0x23: {  	s9 =	sor.u32 $0xD0000000, s2;
	s6 =	simm.s32 $0x108;
	_ =	swait.ge @!p0 [sflag:s8], $0x0  }
0x24: {  	s3 =	sadd.s32 $0x88, s3;
	s6 =	simm.s32 @!p1 $0x1082;
	[sflag:s4] =	ssyncset.s32 $0xFFFFF086  }
0x25: {  	[simem:s6], [sflag:s4] =	dma.local [hbm:s3], $0xF7A  }
0x26: {  	[smem:$0x3F97] =	sst s1;
	(tag) =	ssettag s2;
	_ =	strace s9  }
0x27: {  	s1 =	sld [smem:$0x3FA7]  }
0x28: {  	s2 =	sld [smem:$0x3FA8]  }
0x29: {  	s4 =	sld [smem:$0x3FAA]  }
0x2a: {  	p0 =	seq.s32 s5, $0x0;
	s5 =	sld [smem:$0x3FAB]  }
0x2b: {  	s6 =	sld [smem:$0x3FAC]  }
0x2c: {  	s7 =	sld [smem:$0x3FAD]  }
0x2d: {  	s3 =	simm.s32 $0x108;
	s8 =	sld [smem:$0x3FAE]  }
0x2e: {  	s3 =	simm.s32 @!p0 $0x1082;
	s9 =	sld [smem:$0x3FAF]  }
0x2f: {  	lr =	sadd.s32 s0, s3;
	s0 =	sld [smem:$0x3FA6]  }
0x30: {  	s3 =	sld [smem:$0x3FA9]  }
0x31: {  	[smem:$0x3FB2] =	sst s10  }
0x32: {  	s10 =	sld [smem:$0x3FB0];
	_ =	sdelay $0x3  }
0x33: {  	p0 =	seq.s32 s10, $0x1;
	s10 =	sld [smem:$0x3FB2];
	_ =	sdelay $0x3  }
0x34: {  	[smem:$0x3FB2] =	sst s10  }
0x35: {  	s10 =	sld [smem:$0x3FB1];
	_ =	sdelay $0x3  }
0x36: {  	p1 =	seq.s32 s10, $0x1;
	s10 =	sld [smem:$0x3FB2];
	_ =	sdelay $0x3  }
0x37: {  	[smem:$0x3FB2] =	sst s10  }
0x38: {  	s10 =	sld [smem:$0x3FB3]  }
0x39: {  	_ = 	snop;
	(pc) =	sbr.ind lr, $3  }
0x3a: {  	_ = 	snop  }
0x3b: {  	_ = 	snop  }
0x3c: {  	p2 =	seq.s32 s10, $0x1;
	s10 =	sld [smem:$0x3FB2]  }
0x3d: {  	_ =	shalt  }
0x3e: {  	_ =	shalt  }
0x3f: {  	_ =	shalt  }
0x40: {  	_ =	shalt  }
0x41: {  	_ =	shalt  }
0x42: {  	_ =	shalt  }
0x43: {  	_ =	shalt  }
0x44: {  	_ =	shalt  }
0x45: {  	_ =	shalt  }
0x46: {  	_ =	shalt  }
0x47: {  	_ =	shalt  }
0x48: {  	_ =	shalt  }
0x49: {  	_ =	shalt  }
0x4a: {  	_ =	shalt  }
0x4b: {  	_ =	shalt  }
0x4c: {  	_ =	shalt  }
0x4d: {  	_ =	shalt  }
0x4e: {  	_ =	shalt  }
0x4f: {  	_ =	shalt  }
0x50: {  	_ =	shalt  }
0x51: {  	_ =	shalt  }
0x52: {  	_ =	shalt  }
0x53: {  	_ =	shalt  }
0x54: {  	_ =	shalt  }
0x55: {  	_ =	shalt  }
0x56: {  	_ =	shalt  }
0x57: {  	_ =	shalt  }
0x58: {  	_ =	shalt  }
0x59: {  	_ =	shalt  }
0x5a: {  	_ =	shalt  }
0x5b: {  	_ =	shalt  }
0x5c: {  	_ =	shalt  }
0x5d: {  	_ =	shalt  }
0x5e: {  	_ =	shalt  }
0x5f: {  	_ =	shalt  }
0x60: {  	_ =	shalt  }
0x61: {  	_ =	shalt  }
0x62: {  	_ =	shalt  }
0x63: {  	_ =	shalt  }
0x64: {  	_ =	shalt  }
0x65: {  	_ =	shalt  }
0x66: {  	_ =	shalt  }
0x67: {  	_ =	shalt  }
0x68: {  	_ =	shalt  }
0x69: {  	_ =	shalt  }
0x6a: {  	_ =	shalt  }
0x6b: {  	_ =	shalt  }
0x6c: {  	_ =	shalt  }
0x6d: {  	_ =	shalt  }
0x6e: {  	_ =	shalt  }
0x6f: {  	_ =	shalt  }
0x70: {  	_ =	shalt  }
0x71: {  	_ =	shalt  }
0x72: {  	_ =	shalt  }
0x73: {  	_ =	shalt  }
0x74: {  	_ =	shalt  }
0x75: {  	_ =	shalt  }
0x76: {  	_ =	shalt  }
0x77: {  	_ =	shalt  }
0x78: {  	_ =	shalt  }
0x79: {  	_ =	shalt  }
0x7a: {  	_ =	shalt  }
0x7b: {  	_ =	shalt  }
0x7c: {  	_ =	shalt  }
0x7d: {  	_ =	shalt  }
0x7e: {  	_ =	shalt  }
0x7f: {  	_ =	shalt  }
0x80: {  	_ =	shalt  }
0x81: {  	_ =	shalt  }
0x82: {  	_ =	shalt  }
0x83: {  	_ =	shalt  }
0x84: {  	_ =	shalt  }
0x85: {  	_ =	shalt  }
0x86: {  	_ =	shalt  }
0x87: {  	_ =	shalt  }
.Lfunc_end0:
.L_simem_size_0:
called_computation_lowered:
.L_overlay_start_0:
0x88: {  	s2 =	sld [smem:$0x3FD9]  }
0x89: {  	s3 =	sld [smem:$0x3FFE];
	_ =	sdelay $0x1  }
0x8a: {  	s1 =	srdreg.scid  }
0x8b: {  	s0 =	sand.u32 $0x1, s1  }
0x8c: {  	s14 =	sshll.u32 s0, $0xA;
	s2 =	sadd.s32 s3, s2  }
0x8d: {  	s2 =	sadd.s32 s2, s14  }
0x8e: {  	[smem:$0x3FBE] =	sst s2  }
0x8f: {  	_ = 	snop  }
0x90: {  	s2 =	sld [smem:$0x3FD0];
	_ =	sdelay $0x2  }
0x91: {  	s15 =	simm.s32 $0xA;
	s4 =	simm.s32 $0x10  }
0x92: {  	[smem:s4], [sflag:s15] =	dma.local [hbm:s2], $0x1  }
0x93: {  	_ =	swait.eq [sflag:s15], $0x1  }
0x94: {  	[sflag:s15] =	ssyncset.done $0x0  }
0x95: {  	[sflag:s15] =	ssyncadd.s32 $0xFFFFFFFF  }
0x96: {  	s16 =	sld [smem:$0x10];
	(tm) =	ssettm $0x1  }
0x97: {  	s17 =	sld [smem:$0x3FFB];
	_ =	sdelay $0x3  }
0x98: {  	_ =	strace s17  }
0x99: {  	s3 =	sld [smem:$0x3FFC];
	_ =	sdelay $0x3  }
0x9a: {  	_ =	strace s3  }
0x9b: {  	s3 =	sld [smem:$0x3FFD];
	_ =	sdelay $0x3  }
0x9c: {  	_ =	strace s3  }
0x9d: {  	_ =	strace $0x8FFFFFFF  }
0x9e: {  	s18 =	sld [smem:$0x3FDB];
	_ =	sdelay $0x1  }
0x9f: {  	s19 =	simm.s32 $_scs_section_size  }
0xa0: {  	s5 =	simm.s32 $_size__tile_overlayer_lowered;
	s6 =	simm.s32 $_tile_overlayer_lowered  }
0xa1: {  	s22 =	simm.s32 $0x1BFF;
	s21 =	sshll.u32 s6, $0x1;
	s3 =	sadd.s32 s19, s18  }
0xa2: {  	s7 =	simm.s32 $0x0;
	s20 =	sshll.u32 s5, $0x1;
	s5 =	sadd.s32 s21, s3  }
0xa3: {  	[timem:s7], [sflag:s22] =	dma.local [hbm:s5], s20  }
0xa4: {  	_ =	swait.ge [sflag:s22], s20  }
0xa5: {  	s4 =	ssub.s32 $0x0, s20;
	[sflag:s22] =	ssyncset.done $0x0  }
0xa6: {  	[sflag:s22] =	ssyncadd.s32 s4;
	_ =	sdelay $0x1  }
0xa7: {  	s23 =	simm.s32 $0x1B8B  }
0xa8: {  	_ =	swait.ge [sflag:s23], $0x1  }
0xa9: {  	[sflag:s23] =	ssyncset.done $0x0  }
0xaa: {  	s25 =	simm.s32 $0x1B8E;
	s24 =	sld [smem:$0x3FFE];
	[sflag:s23] =	ssyncadd.s32 $0xFFFFFFFF  }
0xab: {  	s26 =	simm.s32 $execute0_lowered;
	[smem:$0x3FD2] =	sst s25  }
0xac: {  	s5 =	sshll.u32 s26, $0x1;
	_ =	strace $0x80000046;
	[dreg:$0x1] =	wrdreg $0xFFFFFFFF  }
0xad: {  	s28 =	simm.s32 $_size_execute0_lowered;
	s3 =	sadd.s32 s3, s5;
	[dreg:$0x0] =	wrdreg $0x0  }
0xae: {  	s5 =	sshll.u32 s28, $0x1;
	[dreg:$0x2] =	wrdreg s3  }
0xaf: {  	[dreg:$0x3] =	wrdreg s5  }
0xb0: {  	[dreg:$0x4] =	wrdreg $0xC0  }
0xb1: {  	_ =	task [dreg:s7], $0x5FFFF  }
0xb2: {  	[dreg:$0x1] =	wrdreg $0xFFFFFFFF  }
0xb3: {  	[dreg:$0x0] =	wrdreg $0x60  }
0xb4: {  	[dreg:$0x2] =	wrdreg s16  }
0xb5: {  	[dreg:$0x3] =	wrdreg s24  }
0xb6: {  	[dreg:$0x4] =	wrdreg $0x9  }
0xb7: {  	_ =	task.clear_ibuf [dreg:s7], $0x5FFFF;
	_ =	strace $0x90000046  }
0xb8: {  	s29 =	simm.s32 $0x9;
	_ =	strace $0x80000048  }
0xb9: {  	_ =	swait.ge [sflag:s29], $0x1  }
0xba: {  	[sflag:s29] =	ssyncadd.s32 $0xFFFFFFFF  }
0xbb: {  	_ =	strace $0x90000048  }
0xbc: {  	_ =	sfence  }
0xbd: {  	s30 =	sld [smem:$0x0];
	_ =	sdelay $0x2  }
0xbe: {  	s31 =	sshll.u32 s1, $0xD;
	s1 =	sshrl.u32 s1, $0x2  }
0xbf: {  	s3 =	sand.u32 $0x4000, s31;
	s1 =	sadd.s32 s1, s30  }
0xc0: {  	s0 =	sor.u32 s3, s0;
	s1 =	sshll.u32 s1, $0x11  }
0xc1: {  	s0 =	sor.u32 s1, s0  }
0xc2: {  	s0 =	sadd.s32 $0x8F2B, s0  }
0xc3: {  	[sflag:s0] =	ssyncadd.remote.s32 $0x1  }
0xc4: {  	_ =	sfence.sel $0xFFFF  }
0xc5: {  	[dreg:$0x0] =	wrdreg $0xFFFFFFFF;
	(pc) =	sbr.abs _section_cstart, $3  }
0xc6: {  	[dreg:$0x1] =	wrdreg $0xFFFFFFFF  }
0xc7: {  	_ =	task.clear_ibuf [dreg:s7], $0x2FFFF;
	_ =	strace $0x9FFFFFFF  }
0xc8: {  	(tm) =	ssettm $0x7FFFFFFF  }
0xc9: {  	_ =	shalt  }
tec
execute0_lowered:
.L_overlay_start_1:
0x0: {  	(tag) =	ssettag $0x1  }
0x1: {  	s0 =	srdreg.scid;
	s1 =	rddreg [dreg:$0x0]  }
0x2: {  	s2 =	stileid.u32;
	s4 =	rddreg [dreg:$0x1];
	s25 =	simm.s32 $0xC000  }
0x3: {  	s26 =	simm.s32 $0xC080;
	s16 =	simm.s32 $0x1400;
	s17 =	simm.s32 $0x1800  }
0x4: {  	s18 =	simm.s32 $0x2000;
	s19 =	simm.s32 $0x2400;
	s20 =	simm.s32 $0x2C00  }
0x5: {  	s21 =	simm.s32 $0x3000;
	s28 =	simm.s32 $0x5400;
	s29 =	simm.s32 $0x5C00  }
0x6: {  	s30 =	simm.s32 $0x6000;
	s31 =	simm.s32 $0x6800;
	s7 =	simm.s32 $0x7800  }
0x7: {  	s8 =	simm.s32 $0x8000;
	s9 =	simm.s32 $0x8400;
	s10 =	simm.s32 $0x8C00  }
0x8: {  	s11 =	simm.s32 $0x9000;
	s12 =	simm.s32 $0x9800;
	s13 =	simm.s32 $0x9C00  }
0x9: {  	s0 =	sand.u32 $0x1, s0;
	s3 =	sshll.u32 s2, $0x5;
	s2 =	simm.s32 $0x0  }
0xa: {  	s5 =	sshll.u32 s0, $0x4;
	[smem:$0x7FF] =	sst s2;
	s0 =	ssub.s32 $0x2, s0  }
0xb: {  	s3 =	sor.u32 s5, s3;
	_ =	strace $0x80000047;
	[dreg:$0x6] =	wrdreg s25  }
0xc: {  	s23 =	sshrl.u32 s0, $0x1;
	[dreg:$0x7] =	wrdreg s26;
	s25 =	simm.s32 $0x4800  }
0xd: {  	s26 =	simm.s32 $0x5000;
	s5 =	smul.u32 $0x180, s3;
	s6 =	sadd.s32 s3, s4  }
0xe: {  	s3 =	sadd.s32 $0x23600, s4;
	s0 =	ssub.s32 s0, s23;
	s4 =	sadd.s32 $0x23700, s4  }
0xf: {  	s23 =	simm.s32 $0x3C00;
	s22 =	sadd.s32 $0x23200, s6;
	s24 =	sadd.s32 $0x23400, s6  }
0x10: {  	v2 =	vlaneseq.u32;
	s6 =	simm.s32 $0x3;
	s1 =	sadd.s32 s1, s5;
	[dreg:$0x4] =	wrdreg s22  }
0x11: {  	vm0 =	vmmov $0xffff;
	vm1 =	vmmov $0xff;
	v1 =	vshrl.u32 v2, $0x3;
	[dreg:$0x5] =	wrdreg s24;
	s5 =	smax.u32 s0, $0x1;
	s22 =	simm.s32 $0x3800  }
0x12: {  	v0 =	vand.u32 $0x7, v2;
	v2 =	vor.u32 $0x8, v2;
	v1 =	vmul.u32 $0x8, v1;
	s24 =	simm.s32 $0x4400;
	[dreg:$0x3] =	wrdreg s1;
	s1 =	simm.s32 $0x6C00  }
.LBB2_1:
0x13: {  	s14 =	rddreg [dreg:$0x3]  }
0x14: {  	[tilespmem:s2], [sflag:$0x3] =	stream.linear.gather [hbm4b:s14+s2], $0xC000, $0x38;
	[tilespmem:$0xC100] =	vst v63  }
0x15: {  	_ =	swait.ge [sflag:s6], $0xC000  }
0x16: {  	s0 =	rddreg [dreg:$0x4];
	[sflag:s6] =	ssyncset.done $0x0  }
0x17: {  	s15 =	rddreg [dreg:$0x6];
	[sflag:s6] =	ssyncadd.s32 $0xFFFF4000  }
0x18: {  	[tilespmem:s15], [sflag:$0x3] =	stream.linear.gather [hbm4b:s0+s2], $0x80, $0x38;
	[tilespmem:$0xC100] =	vst v63  }
0x19: {  	_ =	swait.ge [sflag:s6], $0x80  }
0x1a: {  	s15 =	rddreg [dreg:$0x5];
	[sflag:s6] =	ssyncset.done $0x0  }
0x1b: {  	s0 =	rddreg [dreg:$0x7];
	[sflag:s6] =	ssyncadd.s32 $0xFFFFFF80  }
0x1c: {  	[tilespmem:s0], [sflag:$0x3] =	stream.linear.gather [hbm4b:s15+s2], $0x80, $0x38;
	[tilespmem:$0xC100] =	vst v63  }
0x1d: {  	_ =	swait.ge [sflag:s6], $0x80  }
0x1e: {  	[sflag:s6] =	ssyncset.done $0x0  }
0x1f: {  	[sflag:s6] =	ssyncadd.s32 $0xFFFFFF80  }
0x20: {  	v3 =	vld [tilespmem:$0xC000];
	_ =	sdelay $0x4  }
0x21: {  	v4 =	vshrl.u32 v3, $0x3  }
0x22: {  	v4 =	vmul.u32 $0x18, v4  }
0x23: {  	v3 =	vand.u32 $0x7, v3  }
0x24: {  	v3 =	vor.u32 v3, v4  }
0x25: {  	v4 =	vperm.xlane v3, v0;
	_ =	sdelay $0x1  }
0x26: {  	v4 =	vadd.s32 v1, v4;
	_ =	sdelay $0x1  }
0x27: {  	v3 =	vperm.xlane v3, v2;
	_ =	sdelay $0x1  }
0x28: {  	v3 =	vadd.s32 v1, v3  }
0x29: {  	[hbm4b:s3+s2] =	stream.indirect_vreg.scatter [tilespmem:s2], [sflag:$0x1], $0x80, v4, vm0, $0xb8;
	[tilespmem:$0xC100] =	vst v63  }
0x2a: {  	s14 =	simm.s32 $0x800  }
0x2b: {  	[hbm4b:s4+s2] =	stream.indirect_vreg.scatter [tilespmem:s14], [sflag:$0x1], $0x80, v4, vm1, $0xb8;
	[tilespmem:$0xC100] =	vst v63  }
0x2c: {  	s15 =	simm.s32 $0xC00  }
0x2d: {  	[hbm4b:s3+s2] =	stream.indirect_vreg.scatter [tilespmem:s15], [sflag:$0x1], $0x80, v3, vm0, $0xb8;
	[tilespmem:$0xC100] =	vst v63  }
0x2e: {  	_ = 	snop  }
0x2f: {  	[hbm4b:s4+s2] =	stream.indirect_vreg.scatter [tilespmem:s16], [sflag:$0x1], $0x80, v3, vm1, $0xb8;
	[tilespmem:$0xC100] =	vst v63  }
0x30: {  	v3 =	vld [tilespmem:$0xC010];
	_ =	sdelay $0x4  }
0x31: {  	v49 =	vshrl.u32 v3, $0x3  }
0x32: {  	v4 =	vmul.u32 $0x18, v49  }
0x33: {  	v3 =	vand.u32 $0x7, v3  }
0x34: {  	v3 =	vor.u32 v3, v4  }
0x35: {  	v4 =	vperm.xlane v3, v0;
	_ =	sdelay $0x1  }
0x36: {  	v4 =	vadd.s32 v1, v4;
	_ =	sdelay $0x1  }
0x37: {  	v3 =	vperm.xlane v3, v2;
	_ =	sdelay $0x1  }
0x38: {  	v3 =	vadd.s32 v1, v3  }
0x39: {  	[hbm4b:s3+s2] =	stream.indirect_vreg.scatter [tilespmem:s17], [sflag:$0x1], $0x80, v4, vm0, $0xb8;
	[tilespmem:$0xC100] =	vst v63  }
0x3a: {  	_ = 	snop  }
0x3b: {  	[hbm4b:s4+s2] =	stream.indirect_vreg.scatter [tilespmem:s18], [sflag:$0x1], $0x80, v4, vm1, $0xb8;
	[tilespmem:$0xC100] =	vst v63  }
0x3c: {  	_ = 	snop  }
0x3d: {  	[hbm4b:s3+s2] =	stream.indirect_vreg.scatter [tilespmem:s19], [sflag:$0x1], $0x80, v3, vm0, $0xb8;
	[tilespmem:$0xC100] =	vst v63  }
0x3e: {  	_ = 	snop  }
0x3f: {  	[hbm4b:s4+s2] =	stream.indirect_vreg.scatter [tilespmem:s20], [sflag:$0x1], $0x80, v3, vm1, $0xb8;
	[tilespmem:$0xC100] =	vst v63  }
0x40: {  	v3 =	vld [tilespmem:$0xC020];
	_ =	sdelay $0x4  }
0x41: {  	v50 =	vshrl.u32 v3, $0x3  }
0x42: {  	v4 =	vmul.u32 $0x18, v50  }
0x43: {  	v3 =	vand.u32 $0x7, v3  }
0x44: {  	v3 =	vor.u32 v3, v4  }
0x45: {  	v4 =	vperm.xlane v3, v0;
	_ =	sdelay $0x1  }
0x46: {  	v4 =	vadd.s32 v1, v4;
	_ =	sdelay $0x1  }
0x47: {  	v3 =	vperm.xlane v3, v2;
	_ =	sdelay $0x1  }
0x48: {  	v3 =	vadd.s32 v1, v3  }
0x49: {  	[hbm4b:s3+s2] =	stream.indirect_vreg.scatter [tilespmem:s21], [sflag:$0x1], $0x80, v4, vm0, $0xb8;
	[tilespmem:$0xC100] =	vst v63  }
0x4a: {  	_ = 	snop  }
0x4b: {  	[hbm4b:s4+s2] =	stream.indirect_vreg.scatter [tilespmem:s22], [sflag:$0x1], $0x80, v4, vm1, $0xb8;
	[tilespmem:$0xC100] =	vst v63  }
0x4c: {  	_ = 	snop  }
0x4d: {  	[hbm4b:s3+s2] =	stream.indirect_vreg.scatter [tilespmem:s23], [sflag:$0x1], $0x80, v3, vm0, $0xb8;
	[tilespmem:$0xC100] =	vst v63  }
0x4e: {  	_ = 	snop  }
0x4f: {  	[hbm4b:s4+s2] =	stream.indirect_vreg.scatter [tilespmem:s24], [sflag:$0x1], $0x80, v3, vm1, $0xb8;
	[tilespmem:$0xC100] =	vst v63  }
0x50: {  	v3 =	vld [tilespmem:$0xC030];
	_ =	sdelay $0x4  }
0x51: {  	v51 =	vshrl.u32 v3, $0x3  }
0x52: {  	v4 =	vmul.u32 $0x18, v51  }
0x53: {  	v3 =	vand.u32 $0x7, v3  }
0x54: {  	v3 =	vor.u32 v3, v4  }
0x55: {  	v4 =	vperm.xlane v3, v0;
	_ =	sdelay $0x1  }
0x56: {  	v4 =	vadd.s32 v1, v4;
	_ =	sdelay $0x1  }
0x57: {  	v3 =	vperm.xlane v3, v2;
	_ =	sdelay $0x1  }
0x58: {  	v3 =	vadd.s32 v1, v3  }
0x59: {  	[hbm4b:s3+s2] =	stream.indirect_vreg.scatter [tilespmem:s25], [sflag:$0x1], $0x80, v4, vm0, $0xb8;
	[tilespmem:$0xC100] =	vst v63  }
0x5a: {  	_ = 	snop  }
0x5b: {  	[hbm4b:s4+s2] =	stream.indirect_vreg.scatter [tilespmem:s26], [sflag:$0x1], $0x80, v4, vm1, $0xb8;
	[tilespmem:$0xC100] =	vst v63  }
0x5c: {  	_ = 	snop  }
0x5d: {  	[hbm4b:s3+s2] =	stream.indirect_vreg.scatter [tilespmem:s28], [sflag:$0x1], $0x80, v3, vm0, $0xb8;
	[tilespmem:$0xC100] =	vst v63  }
0x5e: {  	_ = 	snop  }
0x5f: {  	[hbm4b:s4+s2] =	stream.indirect_vreg.scatter [tilespmem:s29], [sflag:$0x1], $0x80, v3, vm1, $0xb8;
	[tilespmem:$0xC100] =	vst v63  }
0x60: {  	v3 =	vld [tilespmem:$0xC040];
	_ =	sdelay $0x4  }
0x61: {  	v52 =	vshrl.u32 v3, $0x3  }
0x62: {  	v4 =	vmul.u32 $0x18, v52  }
0x63: {  	v3 =	vand.u32 $0x7, v3  }
0x64: {  	v3 =	vor.u32 v3, v4  }
0x65: {  	v4 =	vperm.xlane v3, v0;
	_ =	sdelay $0x1  }
0x66: {  	v4 =	vadd.s32 v1, v4;
	_ =	sdelay $0x1  }
0x67: {  	v3 =	vperm.xlane v3, v2;
	_ =	sdelay $0x1  }
0x68: {  	v3 =	vadd.s32 v1, v3  }
0x69: {  	[hbm4b:s3+s2] =	stream.indirect_vreg.scatter [tilespmem:s30], [sflag:$0x1], $0x80, v4, vm0, $0xb8;
	[tilespmem:$0xC100] =	vst v63  }
0x6a: {  	_ = 	snop  }
0x6b: {  	[hbm4b:s4+s2] =	stream.indirect_vreg.scatter [tilespmem:s31], [sflag:$0x1], $0x80, v4, vm1, $0xb8;
	[tilespmem:$0xC100] =	vst v63  }
0x6c: {  	_ = 	snop  }
0x6d: {  	[hbm4b:s3+s2] =	stream.indirect_vreg.scatter [tilespmem:s1], [sflag:$0x1], $0x80, v3, vm0, $0xb8;
	[tilespmem:$0xC100] =	vst v63  }
0x6e: {  	s0 =	simm.s32 $0x7400  }
0x6f: {  	[hbm4b:s4+s2] =	stream.indirect_vreg.scatter [tilespmem:s0], [sflag:$0x1], $0x80, v3, vm1, $0xb8;
	[tilespmem:$0xC100] =	vst v63  }
0x70: {  	v3 =	vld [tilespmem:$0xC050];
	_ =	sdelay $0x4  }
0x71: {  	v53 =	vshrl.u32 v3, $0x3  }
0x72: {  	v4 =	vmul.u32 $0x18, v53  }
0x73: {  	v3 =	vand.u32 $0x7, v3  }
0x74: {  	v3 =	vor.u32 v3, v4  }
0x75: {  	v4 =	vperm.xlane v3, v0;
	_ =	sdelay $0x1  }
0x76: {  	v4 =	vadd.s32 v1, v4;
	_ =	sdelay $0x1  }
0x77: {  	v3 =	vperm.xlane v3, v2;
	_ =	sdelay $0x1  }
0x78: {  	v3 =	vadd.s32 v1, v3  }
0x79: {  	[hbm4b:s3+s2] =	stream.indirect_vreg.scatter [tilespmem:s7], [sflag:$0x1], $0x80, v4, vm0, $0xb8;
	[tilespmem:$0xC100] =	vst v63  }
0x7a: {  	_ = 	snop  }
0x7b: {  	[hbm4b:s4+s2] =	stream.indirect_vreg.scatter [tilespmem:s8], [sflag:$0x1], $0x80, v4, vm1, $0xb8;
	[tilespmem:$0xC100] =	vst v63  }
0x7c: {  	_ = 	snop  }
0x7d: {  	[hbm4b:s3+s2] =	stream.indirect_vreg.scatter [tilespmem:s9], [sflag:$0x1], $0x80, v3, vm0, $0xb8;
	[tilespmem:$0xC100] =	vst v63  }
0x7e: {  	_ = 	snop  }
0x7f: {  	[hbm4b:s4+s2] =	stream.indirect_vreg.scatter [tilespmem:s10], [sflag:$0x1], $0x80, v3, vm1, $0xb8;
	[tilespmem:$0xC100] =	vst v63  }
0x80: {  	v3 =	vld [tilespmem:$0xC060];
	_ =	sdelay $0x4  }
0x81: {  	v54 =	vshrl.u32 v3, $0x3  }
0x82: {  	v4 =	vmul.u32 $0x18, v54  }
0x83: {  	v3 =	vand.u32 $0x7, v3  }
0x84: {  	v3 =	vor.u32 v3, v4  }
0x85: {  	v4 =	vperm.xlane v3, v0;
	_ =	sdelay $0x1  }
0x86: {  	v4 =	vadd.s32 v1, v4;
	_ =	sdelay $0x1  }
0x87: {  	v3 =	vperm.xlane v3, v2;
	_ =	sdelay $0x1  }
0x88: {  	v3 =	vadd.s32 v1, v3  }
0x89: {  	[hbm4b:s3+s2] =	stream.indirect_vreg.scatter [tilespmem:s11], [sflag:$0x1], $0x80, v4, vm0, $0xb8;
	[tilespmem:$0xC100] =	vst v63  }
0x8a: {  	_ = 	snop  }
0x8b: {  	[hbm4b:s4+s2] =	stream.indirect_vreg.scatter [tilespmem:s12], [sflag:$0x1], $0x80, v4, vm1, $0xb8;
	[tilespmem:$0xC100] =	vst v63  }
0x8c: {  	_ = 	snop  }
0x8d: {  	[hbm4b:s3+s2] =	stream.indirect_vreg.scatter [tilespmem:s13], [sflag:$0x1], $0x80, v3, vm0, $0xb8;
	[tilespmem:$0xC100] =	vst v63  }
0x8e: {  	s0 =	simm.s32 $0xA400  }
0x8f: {  	[hbm4b:s4+s2] =	stream.indirect_vreg.scatter [tilespmem:s0], [sflag:$0x1], $0x80, v3, vm1, $0xb8;
	[tilespmem:$0xC100] =	vst v63  }
0x90: {  	v3 =	vld [tilespmem:$0xC070];
	_ =	sdelay $0x4  }
0x91: {  	v55 =	vshrl.u32 v3, $0x3  }
0x92: {  	v4 =	vmul.u32 $0x18, v55  }
0x93: {  	v3 =	vand.u32 $0x7, v3  }
0x94: {  	v3 =	vor.u32 v3, v4  }
0x95: {  	v4 =	vperm.xlane v3, v0;
	_ =	sdelay $0x1  }
0x96: {  	v4 =	vadd.s32 v1, v4;
	_ =	sdelay $0x1  }
0x97: {  	v3 =	vperm.xlane v3, v2;
	_ =	sdelay $0x1  }
0x98: {  	s0 =	simm.s32 $0xA800;
	v3 =	vadd.s32 v1, v3  }
0x99: {  	[hbm4b:s3+s2] =	stream.indirect_vreg.scatter [tilespmem:s0], [sflag:$0x1], $0x80, v4, vm0, $0xb8;
	[tilespmem:$0xC100] =	vst v63  }
0x9a: {  	s0 =	simm.s32 $0xB000  }
0x9b: {  	[hbm4b:s4+s2] =	stream.indirect_vreg.scatter [tilespmem:s0], [sflag:$0x1], $0x80, v4, vm1, $0xb8;
	[tilespmem:$0xC100] =	vst v63  }
0x9c: {  	s0 =	simm.s32 $0xB400  }
0x9d: {  	[hbm4b:s3+s2] =	stream.indirect_vreg.scatter [tilespmem:s0], [sflag:$0x1], $0x80, v3, vm0, $0xb8;
	[tilespmem:$0xC100] =	vst v63  }
0x9e: {  	s0 =	simm.s32 $0xBC00  }
0x9f: {  	[hbm4b:s4+s2] =	stream.indirect_vreg.scatter [tilespmem:s0], [sflag:$0x1], $0x80, v3, vm1, $0xb8;
	[tilespmem:$0xC100] =	vst v63  }
0xa0: {  	v3 =	vld [tilespmem:$0xC080];
	_ =	sdelay $0x4  }
0xa1: {  	v56 =	vshrl.u32 v3, $0x3  }
0xa2: {  	v4 =	vmul.u32 $0x18, v56  }
0xa3: {  	v3 =	vand.u32 $0x7, v3  }
0xa4: {  	v3 =	vor.u32 v3, v4  }
0xa5: {  	v4 =	vperm.xlane v3, v0;
	_ =	sdelay $0x1  }
0xa6: {  	v4 =	vadd.s32 v1, v4;
	_ =	sdelay $0x1  }
0xa7: {  	v3 =	vperm.xlane v3, v2;
	_ =	sdelay $0x1  }
0xa8: {  	v3 =	vadd.s32 v1, v3  }
0xa9: {  	[hbm4b:s3+s2] =	stream.indirect_vreg.scatter [tilespmem:s2], [sflag:$0x2], $0x80, v4, vm0, $0xb8;
	[tilespmem:$0xC100] =	vst v63  }
0xaa: {  	_ = 	snop  }
0xab: {  	[hbm4b:s4+s2] =	stream.indirect_vreg.scatter [tilespmem:s14], [sflag:$0x2], $0x80, v4, vm1, $0xb8;
	[tilespmem:$0xC100] =	vst v63  }
0xac: {  	_ = 	snop  }
0xad: {  	[hbm4b:s3+s2] =	stream.indirect_vreg.scatter [tilespmem:s15], [sflag:$0x2], $0x80, v3, vm0, $0xb8;
	[tilespmem:$0xC100] =	vst v63  }
0xae: {  	_ = 	snop  }
0xaf: {  	[hbm4b:s4+s2] =	stream.indirect_vreg.scatter [tilespmem:s16], [sflag:$0x2], $0x80, v3, vm1, $0xb8;
	[tilespmem:$0xC100] =	vst v63  }
0xb0: {  	v3 =	vld [tilespmem:$0xC090];
	_ =	sdelay $0x4  }
0xb1: {  	v57 =	vshrl.u32 v3, $0x3  }
0xb2: {  	v4 =	vmul.u32 $0x18, v57  }
0xb3: {  	v3 =	vand.u32 $0x7, v3  }
0xb4: {  	v3 =	vor.u32 v3, v4  }
0xb5: {  	v4 =	vperm.xlane v3, v0;
	_ =	sdelay $0x1  }
0xb6: {  	v4 =	vadd.s32 v1, v4;
	_ =	sdelay $0x1  }
0xb7: {  	v3 =	vperm.xlane v3, v2;
	_ =	sdelay $0x1  }
0xb8: {  	v3 =	vadd.s32 v1, v3  }
0xb9: {  	[hbm4b:s3+s2] =	stream.indirect_vreg.scatter [tilespmem:s17], [sflag:$0x2], $0x80, v4, vm0, $0xb8;
	[tilespmem:$0xC100] =	vst v63  }
0xba: {  	_ = 	snop  }
0xbb: {  	[hbm4b:s4+s2] =	stream.indirect_vreg.scatter [tilespmem:s18], [sflag:$0x2], $0x80, v4, vm1, $0xb8;
	[tilespmem:$0xC100] =	vst v63  }
0xbc: {  	_ = 	snop  }
0xbd: {  	[hbm4b:s3+s2] =	stream.indirect_vreg.scatter [tilespmem:s19], [sflag:$0x2], $0x80, v3, vm0, $0xb8;
	[tilespmem:$0xC100] =	vst v63  }
0xbe: {  	_ = 	snop  }
0xbf: {  	[hbm4b:s4+s2] =	stream.indirect_vreg.scatter [tilespmem:s20], [sflag:$0x2], $0x80, v3, vm1, $0xb8;
	[tilespmem:$0xC100] =	vst v63  }
0xc0: {  	v3 =	vld [tilespmem:$0xC0A0];
	_ =	sdelay $0x4  }
0xc1: {  	v58 =	vshrl.u32 v3, $0x3  }
0xc2: {  	v4 =	vmul.u32 $0x18, v58  }
0xc3: {  	v3 =	vand.u32 $0x7, v3  }
0xc4: {  	v3 =	vor.u32 v3, v4  }
0xc5: {  	v4 =	vperm.xlane v3, v0;
	_ =	sdelay $0x1  }
0xc6: {  	v4 =	vadd.s32 v1, v4;
	_ =	sdelay $0x1  }
0xc7: {  	v3 =	vperm.xlane v3, v2;
	_ =	sdelay $0x1  }
0xc8: {  	v3 =	vadd.s32 v1, v3  }
0xc9: {  	[hbm4b:s3+s2] =	stream.indirect_vreg.scatter [tilespmem:s21], [sflag:$0x2], $0x80, v4, vm0, $0xb8;
	[tilespmem:$0xC100] =	vst v63  }
0xca: {  	_ = 	snop  }
0xcb: {  	[hbm4b:s4+s2] =	stream.indirect_vreg.scatter [tilespmem:s22], [sflag:$0x2], $0x80, v4, vm1, $0xb8;
	[tilespmem:$0xC100] =	vst v63  }
0xcc: {  	_ = 	snop  }
0xcd: {  	[hbm4b:s3+s2] =	stream.indirect_vreg.scatter [tilespmem:s23], [sflag:$0x2], $0x80, v3, vm0, $0xb8;
	[tilespmem:$0xC100] =	vst v63  }
0xce: {  	_ = 	snop  }
0xcf: {  	[hbm4b:s4+s2] =	stream.indirect_vreg.scatter [tilespmem:s24], [sflag:$0x2], $0x80, v3, vm1, $0xb8;
	[tilespmem:$0xC100] =	vst v63  }
0xd0: {  	v3 =	vld [tilespmem:$0xC0B0];
	_ =	sdelay $0x4  }
0xd1: {  	v59 =	vshrl.u32 v3, $0x3  }
0xd2: {  	v4 =	vmul.u32 $0x18, v59  }
0xd3: {  	v3 =	vand.u32 $0x7, v3  }
0xd4: {  	v3 =	vor.u32 v3, v4  }
0xd5: {  	v4 =	vperm.xlane v3, v0;
	_ =	sdelay $0x1  }
0xd6: {  	v4 =	vadd.s32 v1, v4;
	_ =	sdelay $0x1  }
0xd7: {  	v3 =	vperm.xlane v3, v2;
	_ =	sdelay $0x1  }
0xd8: {  	v3 =	vadd.s32 v1, v3  }
0xd9: {  	[hbm4b:s3+s2] =	stream.indirect_vreg.scatter [tilespmem:s25], [sflag:$0x2], $0x80, v4, vm0, $0xb8;
	[tilespmem:$0xC100] =	vst v63  }
0xda: {  	_ = 	snop  }
0xdb: {  	[hbm4b:s4+s2] =	stream.indirect_vreg.scatter [tilespmem:s26], [sflag:$0x2], $0x80, v4, vm1, $0xb8;
	[tilespmem:$0xC100] =	vst v63  }
0xdc: {  	_ = 	snop  }
0xdd: {  	[hbm4b:s3+s2] =	stream.indirect_vreg.scatter [tilespmem:s28], [sflag:$0x2], $0x80, v3, vm0, $0xb8;
	[tilespmem:$0xC100] =	vst v63  }
0xde: {  	_ = 	snop  }
0xdf: {  	[hbm4b:s4+s2] =	stream.indirect_vreg.scatter [tilespmem:s29], [sflag:$0x2], $0x80, v3, vm1, $0xb8;
	[tilespmem:$0xC100] =	vst v63  }
0xe0: {  	v3 =	vld [tilespmem:$0xC0C0];
	_ =	sdelay $0x4  }
0xe1: {  	v60 =	vshrl.u32 v3, $0x3  }
0xe2: {  	v4 =	vmul.u32 $0x18, v60  }
0xe3: {  	v3 =	vand.u32 $0x7, v3  }
0xe4: {  	v3 =	vor.u32 v3, v4  }
0xe5: {  	v4 =	vperm.xlane v3, v0;
	_ =	sdelay $0x1  }
0xe6: {  	v4 =	vadd.s32 v1, v4;
	_ =	sdelay $0x1  }
0xe7: {  	v3 =	vperm.xlane v3, v2;
	_ =	sdelay $0x1  }
0xe8: {  	v3 =	vadd.s32 v1, v3  }
0xe9: {  	[hbm4b:s3+s2] =	stream.indirect_vreg.scatter [tilespmem:s30], [sflag:$0x2], $0x80, v4, vm0, $0xb8;
	[tilespmem:$0xC100] =	vst v63  }
0xea: {  	_ = 	snop  }
0xeb: {  	[hbm4b:s4+s2] =	stream.indirect_vreg.scatter [tilespmem:s31], [sflag:$0x2], $0x80, v4, vm1, $0xb8;
	[tilespmem:$0xC100] =	vst v63  }
0xec: {  	_ = 	snop  }
0xed: {  	[hbm4b:s3+s2] =	stream.indirect_vreg.scatter [tilespmem:s1], [sflag:$0x2], $0x80, v3, vm0, $0xb8;
	[tilespmem:$0xC100] =	vst v63  }
0xee: {  	s14 =	simm.s32 $0x7400  }
0xef: {  	[hbm4b:s4+s2] =	stream.indirect_vreg.scatter [tilespmem:s14], [sflag:$0x2], $0x80, v3, vm1, $0xb8;
	[tilespmem:$0xC100] =	vst v63  }
0xf0: {  	v3 =	vld [tilespmem:$0xC0D0];
	_ =	sdelay $0x4  }
0xf1: {  	v61 =	vshrl.u32 v3, $0x3  }
0xf2: {  	v4 =	vmul.u32 $0x18, v61  }
0xf3: {  	v3 =	vand.u32 $0x7, v3  }
0xf4: {  	v3 =	vor.u32 v3, v4  }
0xf5: {  	v4 =	vperm.xlane v3, v0;
	_ =	sdelay $0x1  }
0xf6: {  	v4 =	vadd.s32 v1, v4;
	_ =	sdelay $0x1  }
0xf7: {  	v3 =	vperm.xlane v3, v2;
	_ =	sdelay $0x1  }
0xf8: {  	v3 =	vadd.s32 v1, v3  }
0xf9: {  	[hbm4b:s3+s2] =	stream.indirect_vreg.scatter [tilespmem:s7], [sflag:$0x2], $0x80, v4, vm0, $0xb8;
	[tilespmem:$0xC100] =	vst v63  }
0xfa: {  	_ = 	snop  }
0xfb: {  	[hbm4b:s4+s2] =	stream.indirect_vreg.scatter [tilespmem:s8], [sflag:$0x2], $0x80, v4, vm1, $0xb8;
	[tilespmem:$0xC100] =	vst v63  }
0xfc: {  	_ = 	snop  }
0xfd: {  	[hbm4b:s3+s2] =	stream.indirect_vreg.scatter [tilespmem:s9], [sflag:$0x2], $0x80, v3, vm0, $0xb8;
	[tilespmem:$0xC100] =	vst v63  }
0xfe: {  	_ = 	snop  }
0xff: {  	[hbm4b:s4+s2] =	stream.indirect_vreg.scatter [tilespmem:s10], [sflag:$0x2], $0x80, v3, vm1, $0xb8;
	[tilespmem:$0xC100] =	vst v63  }
0x100: {  	v3 =	vld [tilespmem:$0xC0E0];
	_ =	sdelay $0x4  }
0x101: {  	v62 =	vshrl.u32 v3, $0x3  }
0x102: {  	v4 =	vmul.u32 $0x18, v62  }
0x103: {  	v3 =	vand.u32 $0x7, v3  }
0x104: {  	v3 =	vor.u32 v3, v4  }
0x105: {  	v4 =	vperm.xlane v3, v0;
	_ =	sdelay $0x1  }
0x106: {  	v4 =	vadd.s32 v1, v4;
	_ =	sdelay $0x1  }
0x107: {  	v3 =	vperm.xlane v3, v2;
	_ =	sdelay $0x1  }
0x108: {  	v3 =	vadd.s32 v1, v3  }
0x109: {  	[hbm4b:s3+s2] =	stream.indirect_vreg.scatter [tilespmem:s11], [sflag:$0x2], $0x80, v4, vm0, $0xb8;
	[tilespmem:$0xC100] =	vst v63  }
0x10a: {  	_ = 	snop  }
0x10b: {  	[hbm4b:s4+s2] =	stream.indirect_vreg.scatter [tilespmem:s12], [sflag:$0x2], $0x80, v4, vm1, $0xb8;
	[tilespmem:$0xC100] =	vst v63  }
0x10c: {  	_ = 	snop  }
0x10d: {  	[hbm4b:s3+s2] =	stream.indirect_vreg.scatter [tilespmem:s13], [sflag:$0x2], $0x80, v3, vm0, $0xb8;
	[tilespmem:$0xC100] =	vst v63  }
0x10e: {  	s15 =	simm.s32 $0xA400  }
0x10f: {  	[hbm4b:s4+s2] =	stream.indirect_vreg.scatter [tilespmem:s15], [sflag:$0x2], $0x80, v3, vm1, $0xb8;
	[tilespmem:$0xC100] =	vst v63  }
0x110: {  	v3 =	vld [tilespmem:$0xC0F0];
	_ =	sdelay $0x4  }
0x111: {  	v63 =	vshrl.u32 v3, $0x3  }
0x112: {  	v4 =	vmul.u32 $0x18, v63  }
0x113: {  	v3 =	vand.u32 $0x7, v3  }
0x114: {  	v3 =	vor.u32 v3, v4  }
0x115: {  	v4 =	vperm.xlane v3, v0;
	_ =	sdelay $0x1  }
0x116: {  	v4 =	vadd.s32 v1, v4;
	_ =	sdelay $0x1  }
0x117: {  	v3 =	vperm.xlane v3, v2;
	_ =	sdelay $0x1  }
0x118: {  	s14 =	simm.s32 $0xA800;
	v3 =	vadd.s32 v1, v3  }
0x119: {  	[hbm4b:s3+s2] =	stream.indirect_vreg.scatter [tilespmem:s14], [sflag:$0x2], $0x80, v4, vm0, $0xb8;
	[tilespmem:$0xC100] =	vst v63  }
0x11a: {  	s15 =	simm.s32 $0xB000  }
0x11b: {  	[hbm4b:s4+s2] =	stream.indirect_vreg.scatter [tilespmem:s15], [sflag:$0x2], $0x80, v4, vm1, $0xb8;
	[tilespmem:$0xC100] =	vst v63  }
0x11c: {  	s14 =	simm.s32 $0xB400  }
0x11d: {  	[hbm4b:s3+s2] =	stream.indirect_vreg.scatter [tilespmem:s14], [sflag:$0x2], $0x80, v3, vm0, $0xb8;
	[tilespmem:$0xC100] =	vst v63  }
0x11e: {  	s15 =	simm.s32 $0xBC00;
	s14 =	simm.s32 $0x1  }
0x11f: {  	[hbm4b:s4+s2] =	stream.indirect_vreg.scatter [tilespmem:s15], [sflag:$0x2], $0x80, v3, vm1, $0xb8;
	[tilespmem:$0xC100] =	vst v63  }
0x120: {  	p0 =	sne.s32 s5, $0x1;
	_ =	swait.ge [sflag:s14], $0xC000  }
.Ltmp0:
0x121: {  	[sflag:s14] =	ssyncset.done $0x0;
	(pc) =	sbr.rel @p0 .LBB2_1-.Ltmp0, $4  }
0x122: {  	s15 =	simm.s32 $0x2;
	[sflag:s14] =	ssyncadd.s32 $0xFFFF4000  }
0x123: {  	_ =	swait.ge [sflag:s15], $0xC000  }
0x124: {  	[sflag:s15] =	ssyncset.done $0x0  }
0x125: {  	s5 =	sadd.s32 $0xFFFFFFFF, s5;
	[sflag:s15] =	ssyncadd.s32 $0xFFFF4000  }
0x126: {  	_ =	sfence.sel $0x180000  }
0x127: {  	[bflag:$0x0] =	sbarrier.arrive $0xFFFF  }
0x128: {  	_ =	strace $0x90000047  }
0x129: {  	s0 =	stileid.u32;
	[bflag:$0x2] =	sbarrier.arrive $0xFFFF  }
0x12a: {  	p0 =	sne.s32 s0, $0x0;
	s0 =	rddreg [dreg:$0x2]  }
0x12b: {  	s0 =	sadd.s32 @!p0 $0x100000, s0  }
0x12c: {  	[sflag:s0] =	ssyncadd.tile.s32 @!p0 $0x1;
	_ =	shalt  }
.Lfunc_end2:
_tile_overlayer_lowered:
.L_overlay_start_2:
0x12d: {  	(tag) =	ssettag $0x2  }
0x12e: {  	s0 =	rddreg [dreg:$0x0];
	s2 =	stileid.u32  }
0x12f: {  	s1 =	rddreg [dreg:$0x1];
	p0 =	sne.s32 s2, $0x0  }
0x130: {  	s3 =	rddreg [dreg:$0x2];
	[bflag:$0x3] =	sbarrier.arrive $0xFFFF;
	s2 =	simm.s32 @!p0 $0x1C03  }
0x131: {  	[timem:s3], [sflag:s2] =	dma.local @!p0 [hbm:s0], s1  }
0x132: {  	s0 =	simm.s32 @!p0 $0x3  }
0x133: {  	_ =	swait.ge @!p0 [sflag:s0], s1  }
0x134: {  	s1 =	ssub.s32 @!p0 $0x0, s1;
	[sflag:s0] =	ssyncset.done @!p0 $0x0  }
0x135: {  	[sflag:s0] =	ssyncadd.s32 @!p0 s1  }
0x136: {  	[bflag:$0x3] =	sbarrier.arrive $0xFFFF  }
0x137: {  	_ =	shalt  }

</sc_bundles>
